<compile_context>
chip_gen: v7x
topology: tpu7x:2x2x1
jax: 0.10.2.dev20260603
libtpu: 0.0.44.dev20260713+nightly
codegen_flags: <defaults>
</compile_context>

<pallas_src>
import functools

import jax
import jax.numpy as jnp
from jax import lax
from jax.experimental import pallas as pl
from jax.experimental.pallas import tpu as pltpu, tpu_sc as plsc

D_HALF = 64
D = 128
NV = D_HALF * D_HALF
B, S = 4096, 50
N_TOTAL = B * S
NC, NS, L = 2, 16, 16
NW = NC * NS
B_PER_W = B // NW
N_PER_W = N_TOTAL // NW
GROUPS = N_PER_W // L
NBUF = 8
N_WAVES = B_PER_W // NBUF


def _comb_body(rt_ref, ct_ref, out_ref):
    i0 = lax.broadcasted_iota(jnp.int32, (NV, D_HALF), 0)
    i1 = lax.broadcasted_iota(jnp.int32, (NV, D_HALF), 1)
    oh_r = (i0 // D_HALF == i1).astype(jnp.float32)
    oh_c = (i0 % D_HALF == i1).astype(jnp.float32)
    out_ref[:, :D_HALF] = jnp.dot(oh_r, rt_ref[...],
                                  preferred_element_type=jnp.float32)
    out_ref[:, D_HALF:] = jnp.dot(oh_c, ct_ref[...],
                                  preferred_element_type=jnp.float32)


_build_comb = pl.pallas_call(
    _comb_body,
    out_shape=jax.ShapeDtypeStruct((NV, D), jnp.float32),
)


def _body(idx_hbm, comb_hbm, out_hbm, idx_v, comb_sp, *rest):
    bufs = rest[:NBUF]
    gsem = rest[NBUF:2 * NBUF]
    osem = rest[2 * NBUF:3 * NBUF]

    sid = lax.axis_index("s")
    wid = sid * NC + lax.axis_index("c")
    base_b = wid * B_PER_W

    rows = NV // NS
    pltpu.sync_copy(comb_hbm.at[pl.ds(sid * rows, rows)],
                    comb_sp.at[pl.ds(sid * rows, rows)])
    pltpu.sync_copy(idx_hbm.at[pl.ds(base_b, B_PER_W)], idx_v)
    plsc.subcore_barrier()

    def wave_body(i, carry):
        handles = []
        for b in range(NBUF):
            ci = i * NBUF + b

            @pl.when(i > 0)
            def _wait_out(b=b):
                pltpu.make_async_copy(
                    bufs[b], out_hbm.at[base_b], osem[b]).wait()

            handles.append(
                pltpu.async_copy(
                    comb_sp.at[idx_v.at[ci]], bufs[b], gsem[b]))
        for b in range(NBUF):
            ci = i * NBUF + b
            handles[b].wait()
            pltpu.async_copy(bufs[b], out_hbm.at[base_b + ci], osem[b])
        return carry

    lax.fori_loop(0, N_WAVES, wave_body, 0)

    for b in range(NBUF):
        pltpu.make_async_copy(bufs[b], out_hbm.at[base_b], osem[b]).wait()


_encode = functools.partial(
    pl.kernel,
    out_type=jax.ShapeDtypeStruct((B, S, D), jnp.float32),
    mesh=plsc.VectorSubcoreMesh(core_axis_name="c", subcore_axis_name="s"),
    scratch_types=(
        [pltpu.VMEM((B_PER_W, S), jnp.int32),
         pltpu.VMEM_SHARED((NV, D), jnp.float32)]
        + [pltpu.VMEM((S, D), jnp.float32) for _ in range(NBUF)]
        + [pltpu.SemaphoreType.DMA for _ in range(2 * NBUF)]
    ),
    compiler_params=pltpu.CompilerParams(
        needs_layout_passes=False, use_tc_tiling_on_sc=True),
)(_body)


def kernel(coords, row_emb, col_emb):
    c32 = coords.astype(jnp.int32)
    idx = (jnp.clip(c32[..., 0], 0, D_HALF - 1) * D_HALF
           + jnp.clip(c32[..., 1], 0, D_HALF - 1))
    comb = _build_comb(row_emb, col_emb)
    return _encode(idx, comb)

# --- scband reference (transcript-rebuilt; emitter-appended) ---
"""Pipeline reference for scband-discrete-position-encoder-54924041781483 (READ-ONLY COPY).

The authoritative reference and input builder live on the scoring server;
editing this copy changes nothing except your own understanding.
"""

import jax, jax.numpy as jnp
import numpy as np

D_OUT = 128
MAX_COORD = 64

def setup_inputs(seed: int = 0) -> dict:
    key = jax.random.key(seed)
    k1, k2, k3 = jax.random.split(key, 3)
    coords = jax.random.randint(k1, (4096, 50, 2), 0, MAX_COORD, dtype=jnp.int64 if jax.config.jax_enable_x64 else jnp.int32)
    row_emb = jax.random.normal(k2, (MAX_COORD, D_OUT // 2), dtype=jnp.float32) * 0.5
    col_emb = jax.random.normal(k3, (MAX_COORD, D_OUT // 2), dtype=jnp.float32) * 0.5
    return {"coords": coords, "row_emb": row_emb, "col_emb": col_emb}

def reference(coords, row_emb, col_emb):
    row = jnp.clip(coords[..., 0], 0, MAX_COORD - 1)
    col = jnp.clip(coords[..., 1], 0, MAX_COORD - 1)
    row_enc = jnp.take(row_emb, row, axis=0)
    col_enc = jnp.take(col_emb, col, axis=0)
    return jnp.concatenate([row_enc, col_enc], axis=-1)

if __name__ == "__main__":
    import jax
    _d = setup_inputs()
    print(jax.jit(kernel)(*tuple(_d.values())))

</pallas_src>

<mosaic_0001>
#map = affine_map<(d0, d1) -> (0, 0)>
#map1 = affine_map<(d0, d1) -> (0, 0, 0)>
module attributes {stable_mosaic.version = 14 : i64} {
  func.func @_body(%arg0: i32, %arg1: i32, %arg2: memref<4096x50xi32, #tpu.memory_space<hbm>>, %arg3: memref<4096x128xf32, #tpu.memory_space<hbm>>, %arg4: memref<4096x50x128xf32, #tpu.memory_space<hbm>>, %arg5: memref<128x50xi32, #tpu.memory_space<vmem>>, %arg6: memref<4096x128xf32, #tpu.memory_space<vmem_shared>>, %arg7: memref<50x128xf32, #tpu.memory_space<vmem>>, %arg8: memref<50x128xf32, #tpu.memory_space<vmem>>, %arg9: memref<50x128xf32, #tpu.memory_space<vmem>>, %arg10: memref<50x128xf32, #tpu.memory_space<vmem>>, %arg11: memref<50x128xf32, #tpu.memory_space<vmem>>, %arg12: memref<50x128xf32, #tpu.memory_space<vmem>>, %arg13: memref<50x128xf32, #tpu.memory_space<vmem>>, %arg14: memref<50x128xf32, #tpu.memory_space<vmem>>, %arg15: memref<!tpu.dma_semaphore, #tpu.memory_space<semaphore_mem>>, %arg16: memref<!tpu.dma_semaphore, #tpu.memory_space<semaphore_mem>>, %arg17: memref<!tpu.dma_semaphore, #tpu.memory_space<semaphore_mem>>, %arg18: memref<!tpu.dma_semaphore, #tpu.memory_space<semaphore_mem>>, %arg19: memref<!tpu.dma_semaphore, #tpu.memory_space<semaphore_mem>>, %arg20: memref<!tpu.dma_semaphore, #tpu.memory_space<semaphore_mem>>, %arg21: memref<!tpu.dma_semaphore, #tpu.memory_space<semaphore_mem>>, %arg22: memref<!tpu.dma_semaphore, #tpu.memory_space<semaphore_mem>>, %arg23: memref<!tpu.dma_semaphore, #tpu.memory_space<semaphore_mem>>, %arg24: memref<!tpu.dma_semaphore, #tpu.memory_space<semaphore_mem>>, %arg25: memref<!tpu.dma_semaphore, #tpu.memory_space<semaphore_mem>>, %arg26: memref<!tpu.dma_semaphore, #tpu.memory_space<semaphore_mem>>, %arg27: memref<!tpu.dma_semaphore, #tpu.memory_space<semaphore_mem>>, %arg28: memref<!tpu.dma_semaphore, #tpu.memory_space<semaphore_mem>>, %arg29: memref<!tpu.dma_semaphore, #tpu.memory_space<semaphore_mem>>, %arg30: memref<!tpu.dma_semaphore, #tpu.memory_space<semaphore_mem>>) attributes {dimension_semantics = [#tpu.dimension_semantics<core_parallel>, #tpu.dimension_semantics<subcore_parallel>], iteration_bounds = array<i64: 2, 16>, scalar_prefetch = 0 : i64, scratch_operands = 26 : i64, tpu.core_type = #tpu.core_type<sc_vector_subcore>, window_params = [{transform_indices = #map}, {transform_indices = #map}, {transform_indices = #map1}]} {
    %mul3A = arith.constant 2 : i32
    %mul3A_0 = arith.muli %arg1, %mul3A : i32
    %add3A = arith.addi %mul3A_0, %arg0 : i32
    %mul3A_1 = arith.constant 128 : i32
    %mul3A_2 = arith.muli %add3A, %mul3A_1 : i32
    %mul3A_3 = arith.constant 256 : i32
    %mul3A_4 = arith.muli %arg1, %mul3A_3 : i32
    %mul3A_5 = arith.constant 256 : i32
    %mul3A_6 = arith.muli %arg1, %mul3A_5 : i32
    "tpu.region"() ({
      %run_scoped3A = tpu.sem_alloc : memref<!tpu.dma_semaphore, #tpu.memory_space<semaphore_mem>>
      %dma_start3A = arith.constant 0 : i32
      %dma_start3A_75 = tpu.memref_slice %arg6[%mul3A_6, %dma_start3A] : memref<4096x128xf32, #tpu.memory_space<vmem_shared>> -> memref<256x128xf32, #tpu.memory_space<vmem_shared>>
      %dma_start3A_76 = arith.constant 0 : i32
      %dma_start3A_77 = tpu.memref_slice %arg3[%mul3A_4, %dma_start3A_76] : memref<4096x128xf32, #tpu.memory_space<hbm>> -> memref<256x128xf32, #tpu.memory_space<hbm>>
      tpu.enqueue_dma source(%dma_start3A_77 : memref<256x128xf32, #tpu.memory_space<hbm>>) target(%dma_start3A_75 : memref<256x128xf32, #tpu.memory_space<vmem_shared>>) target_semaphore(%run_scoped3A : memref<!tpu.dma_semaphore, #tpu.memory_space<semaphore_mem>>)
      %dma_wait3A_78 = arith.constant 0 : i32
      %dma_wait3A_79 = tpu.memref_slice %arg6[%mul3A_6, %dma_wait3A_78] : memref<4096x128xf32, #tpu.memory_space<vmem_shared>> -> memref<256x128xf32, #tpu.memory_space<vmem_shared>>
      %dma_wait3A_80 = arith.constant 0 : i32
      %dma_wait3A_81 = tpu.memref_slice %arg3[%mul3A_4, %dma_wait3A_80] : memref<4096x128xf32, #tpu.memory_space<hbm>> -> memref<256x128xf32, #tpu.memory_space<hbm>>
      tpu.wait_dma2 semaphore(%run_scoped3A : memref<!tpu.dma_semaphore, #tpu.memory_space<semaphore_mem>>) src(%dma_wait3A_81 : memref<256x128xf32, #tpu.memory_space<hbm>>) dst(%dma_wait3A_79 : memref<256x128xf32, #tpu.memory_space<vmem_shared>>)
      tpu.yield
    }) : () -> ()
    "tpu.region"() ({
      %run_scoped3A = tpu.sem_alloc : memref<!tpu.dma_semaphore, #tpu.memory_space<semaphore_mem>>
      %dma_start3A = arith.constant 0 : i32
      %dma_start3A_75 = tpu.memref_slice %arg2[%mul3A_2, %dma_start3A] : memref<4096x50xi32, #tpu.memory_space<hbm>> -> memref<128x50xi32, #tpu.memory_space<hbm>>
      %dma_start3A_76 = arith.constant 0 : i32
      %dma_start3A_77 = tpu.memref_slice %arg2[%mul3A_2, %dma_start3A_76] : memref<4096x50xi32, #tpu.memory_space<hbm>> -> memref<128x50xi32, #tpu.memory_space<hbm>>
      tpu.enqueue_dma source(%dma_start3A_77 : memref<128x50xi32, #tpu.memory_space<hbm>>) target(%arg5 : memref<128x50xi32, #tpu.memory_space<vmem>>) target_semaphore(%run_scoped3A : memref<!tpu.dma_semaphore, #tpu.memory_space<semaphore_mem>>)
      %dma_wait3A_78 = arith.constant 0 : i32
      %dma_wait3A_79 = tpu.memref_slice %arg2[%mul3A_2, %dma_wait3A_78] : memref<4096x50xi32, #tpu.memory_space<hbm>> -> memref<128x50xi32, #tpu.memory_space<hbm>>
      %dma_wait3A_80 = arith.constant 0 : i32
      %dma_wait3A_81 = tpu.memref_slice %arg2[%mul3A_2, %dma_wait3A_80] : memref<4096x50xi32, #tpu.memory_space<hbm>> -> memref<128x50xi32, #tpu.memory_space<hbm>>
      tpu.wait_dma2 semaphore(%run_scoped3A : memref<!tpu.dma_semaphore, #tpu.memory_space<semaphore_mem>>) src(%dma_wait3A_81 : memref<128x50xi32, #tpu.memory_space<hbm>>) dst(%arg5 : memref<128x50xi32, #tpu.memory_space<vmem>>)
      tpu.yield
    }) : () -> ()
    %barrier3A = arith.constant 0 : index
    tpu.barrier barrier_id(%barrier3A)
    %scan3A = arith.constant 0 : i32
    %scan3A_7 = arith.constant 0 : i32
    %scan3A_8 = arith.constant 16 : i32
    %scan3A_9 = arith.addi %scan3A_7, %scan3A_8 : i32
    %scan3A_10 = arith.constant 1 : i32
    scf.for %scan3A_75 = %scan3A_7 to %scan3A_9 step %scan3A_10  : i32 {
      %mul3A_76 = arith.constant 8 : i32
      %mul3A_77 = arith.muli %scan3A_75, %mul3A_76 : i32
      %add3A_78 = arith.constant 0 : i32
      %add3A_79 = arith.addi %mul3A_77, %add3A_78 : i32
      %gt3A = arith.constant 0 : i32
      %gt3A_80 = arith.cmpi sgt, %scan3A_75, %gt3A : i32
      %convert_element_type3A = arith.extui %gt3A_80 : i1 to i32
      %cond3A = arith.constant 0 : i32
      %cond3A_81 = arith.cmpi ne, %convert_element_type3A, %cond3A : i32
      scf.if %cond3A_81 {
        %dma_wait3A_344 = arith.constant 0 : i32
        %dma_wait3A_345 = arith.constant 0 : i32
        %dma_wait3A_346 = tpu.memref_slice %arg4[%mul3A_2, %dma_wait3A_344, %dma_wait3A_345] : memref<4096x50x128xf32, #tpu.memory_space<hbm>> -> memref<1x50x128xf32, #tpu.memory_space<hbm>>
        %dma_wait3A_347 = tpu.memref_squeeze %dma_wait3A_346 : memref<1x50x128xf32, #tpu.memory_space<hbm>> -> memref<50x128xf32, #tpu.memory_space<hbm>>
        %dma_wait3A_348 = arith.constant 0 : i32
        %dma_wait3A_349 = arith.constant 0 : i32
        %dma_wait3A_350 = tpu.memref_slice %arg4[%mul3A_2, %dma_wait3A_348, %dma_wait3A_349] : memref<4096x50x128xf32, #tpu.memory_space<hbm>> -> memref<1x50x128xf32, #tpu.memory_space<hbm>>
        %dma_wait3A_351 = tpu.memref_squeeze %dma_wait3A_350 : memref<1x50x128xf32, #tpu.memory_space<hbm>> -> memref<50x128xf32, #tpu.memory_space<hbm>>
        tpu.wait_dma2 semaphore(%arg23 : memref<!tpu.dma_semaphore, #tpu.memory_space<semaphore_mem>>) src(%arg7 : memref<50x128xf32, #tpu.memory_space<vmem>>) dst(%dma_wait3A_351 : memref<50x128xf32, #tpu.memory_space<hbm>>)
      } else {
      }
      %dma_start3A = arith.constant 0 : i32
      %dma_start3A_82 = tpu.memref_slice %arg5[%add3A_79, %dma_start3A] : memref<128x50xi32, #tpu.memory_space<vmem>> -> memref<1x50xi32, #tpu.memory_space<vmem>>
      %dma_start3A_83 = tpu.memref_squeeze %dma_start3A_82 : memref<1x50xi32, #tpu.memory_space<vmem>> -> memref<50xi32, #tpu.memory_space<vmem>>
      %dma_start3A_84 = arith.constant 0 : i32
      %dma_start3A_85 = arith.constant 0 : i32
      %dma_start3A_86 = tpu.memref_slice %arg6[%dma_start3A_84, %dma_start3A_85] : memref<4096x128xf32, #tpu.memory_space<vmem_shared>> -> memref<4096x128xf32, #tpu.memory_space<vmem_shared>>
      tpu.enqueue_indirect_dma source(%dma_start3A_86 : memref<4096x128xf32, #tpu.memory_space<vmem_shared>>) target(%arg7 : memref<50x128xf32, #tpu.memory_space<vmem>>) offsets(%dma_start3A_83 : memref<50xi32, #tpu.memory_space<vmem>>) semaphore(%arg15 : memref<!tpu.dma_semaphore, #tpu.memory_space<semaphore_mem>>)
      %mul3A_87 = arith.constant 8 : i32
      %mul3A_88 = arith.muli %scan3A_75, %mul3A_87 : i32
      %add3A_89 = arith.constant 1 : i32
      %add3A_90 = arith.addi %mul3A_88, %add3A_89 : i32
      %gt3A_91 = arith.constant 0 : i32
      %gt3A_92 = arith.cmpi sgt, %scan3A_75, %gt3A_91 : i32
      %convert_element_type3A_93 = arith.extui %gt3A_92 : i1 to i32
      %cond3A_94 = arith.constant 0 : i32
      %cond3A_95 = arith.cmpi ne, %convert_element_type3A_93, %cond3A_94 : i32
      scf.if %cond3A_95 {
        %dma_wait3A_344 = arith.constant 0 : i32
        %dma_wait3A_345 = arith.constant 0 : i32
        %dma_wait3A_346 = tpu.memref_slice %arg4[%mul3A_2, %dma_wait3A_344, %dma_wait3A_345] : memref<4096x50x128xf32, #tpu.memory_space<hbm>> -> memref<1x50x128xf32, #tpu.memory_space<hbm>>
        %dma_wait3A_347 = tpu.memref_squeeze %dma_wait3A_346 : memref<1x50x128xf32, #tpu.memory_space<hbm>> -> memref<50x128xf32, #tpu.memory_space<hbm>>
        %dma_wait3A_348 = arith.constant 0 : i32
        %dma_wait3A_349 = arith.constant 0 : i32
        %dma_wait3A_350 = tpu.memref_slice %arg4[%mul3A_2, %dma_wait3A_348, %dma_wait3A_349] : memref<4096x50x128xf32, #tpu.memory_space<hbm>> -> memref<1x50x128xf32, #tpu.memory_space<hbm>>
        %dma_wait3A_351 = tpu.memref_squeeze %dma_wait3A_350 : memref<1x50x128xf32, #tpu.memory_space<hbm>> -> memref<50x128xf32, #tpu.memory_space<hbm>>
        tpu.wait_dma2 semaphore(%arg24 : memref<!tpu.dma_semaphore, #tpu.memory_space<semaphore_mem>>) src(%arg8 : memref<50x128xf32, #tpu.memory_space<vmem>>) dst(%dma_wait3A_351 : memref<50x128xf32, #tpu.memory_space<hbm>>)
      } else {
      }
      %dma_start3A_96 = arith.constant 0 : i32
      %dma_start3A_97 = tpu.memref_slice %arg5[%add3A_90, %dma_start3A_96] : memref<128x50xi32, #tpu.memory_space<vmem>> -> memref<1x50xi32, #tpu.memory_space<vmem>>
      %dma_start3A_98 = tpu.memref_squeeze %dma_start3A_97 : memref<1x50xi32, #tpu.memory_space<vmem>> -> memref<50xi32, #tpu.memory_space<vmem>>
      %dma_start3A_99 = arith.constant 0 : i32
      %dma_start3A_100 = arith.constant 0 : i32
      %dma_start3A_101 = tpu.memref_slice %arg6[%dma_start3A_99, %dma_start3A_100] : memref<4096x128xf32, #tpu.memory_space<vmem_shared>> -> memref<4096x128xf32, #tpu.memory_space<vmem_shared>>
      tpu.enqueue_indirect_dma source(%dma_start3A_101 : memref<4096x128xf32, #tpu.memory_space<vmem_shared>>) target(%arg8 : memref<50x128xf32, #tpu.memory_space<vmem>>) offsets(%dma_start3A_98 : memref<50xi32, #tpu.memory_space<vmem>>) semaphore(%arg16 : memref<!tpu.dma_semaphore, #tpu.memory_space<semaphore_mem>>)
      %mul3A_102 = arith.constant 8 : i32
      %mul3A_103 = arith.muli %scan3A_75, %mul3A_102 : i32
      %add3A_104 = arith.constant 2 : i32
      %add3A_105 = arith.addi %mul3A_103, %add3A_104 : i32
      %gt3A_106 = arith.constant 0 : i32
      %gt3A_107 = arith.cmpi sgt, %scan3A_75, %gt3A_106 : i32
      %convert_element_type3A_108 = arith.extui %gt3A_107 : i1 to i32
      %cond3A_109 = arith.constant 0 : i32
      %cond3A_110 = arith.cmpi ne, %convert_element_type3A_108, %cond3A_109 : i32
      scf.if %cond3A_110 {
        %dma_wait3A_344 = arith.constant 0 : i32
        %dma_wait3A_345 = arith.constant 0 : i32
        %dma_wait3A_346 = tpu.memref_slice %arg4[%mul3A_2, %dma_wait3A_344, %dma_wait3A_345] : memref<4096x50x128xf32, #tpu.memory_space<hbm>> -> memref<1x50x128xf32, #tpu.memory_space<hbm>>
        %dma_wait3A_347 = tpu.memref_squeeze %dma_wait3A_346 : memref<1x50x128xf32, #tpu.memory_space<hbm>> -> memref<50x128xf32, #tpu.memory_space<hbm>>
        %dma_wait3A_348 = arith.constant 0 : i32
        %dma_wait3A_349 = arith.constant 0 : i32
        %dma_wait3A_350 = tpu.memref_slice %arg4[%mul3A_2, %dma_wait3A_348, %dma_wait3A_349] : memref<4096x50x128xf32, #tpu.memory_space<hbm>> -> memref<1x50x128xf32, #tpu.memory_space<hbm>>
        %dma_wait3A_351 = tpu.memref_squeeze %dma_wait3A_350 : memref<1x50x128xf32, #tpu.memory_space<hbm>> -> memref<50x128xf32, #tpu.memory_space<hbm>>
        tpu.wait_dma2 semaphore(%arg25 : memref<!tpu.dma_semaphore, #tpu.memory_space<semaphore_mem>>) src(%arg9 : memref<50x128xf32, #tpu.memory_space<vmem>>) dst(%dma_wait3A_351 : memref<50x128xf32, #tpu.memory_space<hbm>>)
      } else {
      }
      %dma_start3A_111 = arith.constant 0 : i32
      %dma_start3A_112 = tpu.memref_slice %arg5[%add3A_105, %dma_start3A_111] : memref<128x50xi32, #tpu.memory_space<vmem>> -> memref<1x50xi32, #tpu.memory_space<vmem>>
      %dma_start3A_113 = tpu.memref_squeeze %dma_start3A_112 : memref<1x50xi32, #tpu.memory_space<vmem>> -> memref<50xi32, #tpu.memory_space<vmem>>
      %dma_start3A_114 = arith.constant 0 : i32
      %dma_start3A_115 = arith.constant 0 : i32
      %dma_start3A_116 = tpu.memref_slice %arg6[%dma_start3A_114, %dma_start3A_115] : memref<4096x128xf32, #tpu.memory_space<vmem_shared>> -> memref<4096x128xf32, #tpu.memory_space<vmem_shared>>
      tpu.enqueue_indirect_dma source(%dma_start3A_116 : memref<4096x128xf32, #tpu.memory_space<vmem_shared>>) target(%arg9 : memref<50x128xf32, #tpu.memory_space<vmem>>) offsets(%dma_start3A_113 : memref<50xi32, #tpu.memory_space<vmem>>) semaphore(%arg17 : memref<!tpu.dma_semaphore, #tpu.memory_space<semaphore_mem>>)
      %mul3A_117 = arith.constant 8 : i32
      %mul3A_118 = arith.muli %scan3A_75, %mul3A_117 : i32
      %add3A_119 = arith.constant 3 : i32
      %add3A_120 = arith.addi %mul3A_118, %add3A_119 : i32
      %gt3A_121 = arith.constant 0 : i32
      %gt3A_122 = arith.cmpi sgt, %scan3A_75, %gt3A_121 : i32
      %convert_element_type3A_123 = arith.extui %gt3A_122 : i1 to i32
      %cond3A_124 = arith.constant 0 : i32
      %cond3A_125 = arith.cmpi ne, %convert_element_type3A_123, %cond3A_124 : i32
      scf.if %cond3A_125 {
        %dma_wait3A_344 = arith.constant 0 : i32
        %dma_wait3A_345 = arith.constant 0 : i32
        %dma_wait3A_346 = tpu.memref_slice %arg4[%mul3A_2, %dma_wait3A_344, %dma_wait3A_345] : memref<4096x50x128xf32, #tpu.memory_space<hbm>> -> memref<1x50x128xf32, #tpu.memory_space<hbm>>
        %dma_wait3A_347 = tpu.memref_squeeze %dma_wait3A_346 : memref<1x50x128xf32, #tpu.memory_space<hbm>> -> memref<50x128xf32, #tpu.memory_space<hbm>>
        %dma_wait3A_348 = arith.constant 0 : i32
        %dma_wait3A_349 = arith.constant 0 : i32
        %dma_wait3A_350 = tpu.memref_slice %arg4[%mul3A_2, %dma_wait3A_348, %dma_wait3A_349] : memref<4096x50x128xf32, #tpu.memory_space<hbm>> -> memref<1x50x128xf32, #tpu.memory_space<hbm>>
        %dma_wait3A_351 = tpu.memref_squeeze %dma_wait3A_350 : memref<1x50x128xf32, #tpu.memory_space<hbm>> -> memref<50x128xf32, #tpu.memory_space<hbm>>
        tpu.wait_dma2 semaphore(%arg26 : memref<!tpu.dma_semaphore, #tpu.memory_space<semaphore_mem>>) src(%arg10 : memref<50x128xf32, #tpu.memory_space<vmem>>) dst(%dma_wait3A_351 : memref<50x128xf32, #tpu.memory_space<hbm>>)
      } else {
      }
      %dma_start3A_126 = arith.constant 0 : i32
      %dma_start3A_127 = tpu.memref_slice %arg5[%add3A_120, %dma_start3A_126] : memref<128x50xi32, #tpu.memory_space<vmem>> -> memref<1x50xi32, #tpu.memory_space<vmem>>
      %dma_start3A_128 = tpu.memref_squeeze %dma_start3A_127 : memref<1x50xi32, #tpu.memory_space<vmem>> -> memref<50xi32, #tpu.memory_space<vmem>>
      %dma_start3A_129 = arith.constant 0 : i32
      %dma_start3A_130 = arith.constant 0 : i32
      %dma_start3A_131 = tpu.memref_slice %arg6[%dma_start3A_129, %dma_start3A_130] : memref<4096x128xf32, #tpu.memory_space<vmem_shared>> -> memref<4096x128xf32, #tpu.memory_space<vmem_shared>>
      tpu.enqueue_indirect_dma source(%dma_start3A_131 : memref<4096x128xf32, #tpu.memory_space<vmem_shared>>) target(%arg10 : memref<50x128xf32, #tpu.memory_space<vmem>>) offsets(%dma_start3A_128 : memref<50xi32, #tpu.memory_space<vmem>>) semaphore(%arg18 : memref<!tpu.dma_semaphore, #tpu.memory_space<semaphore_mem>>)
      %mul3A_132 = arith.constant 8 : i32
      %mul3A_133 = arith.muli %scan3A_75, %mul3A_132 : i32
      %add3A_134 = arith.constant 4 : i32
      %add3A_135 = arith.addi %mul3A_133, %add3A_134 : i32
      %gt3A_136 = arith.constant 0 : i32
      %gt3A_137 = arith.cmpi sgt, %scan3A_75, %gt3A_136 : i32
      %convert_element_type3A_138 = arith.extui %gt3A_137 : i1 to i32
      %cond3A_139 = arith.constant 0 : i32
      %cond3A_140 = arith.cmpi ne, %convert_element_type3A_138, %cond3A_139 : i32
      scf.if %cond3A_140 {
        %dma_wait3A_344 = arith.constant 0 : i32
        %dma_wait3A_345 = arith.constant 0 : i32
        %dma_wait3A_346 = tpu.memref_slice %arg4[%mul3A_2, %dma_wait3A_344, %dma_wait3A_345] : memref<4096x50x128xf32, #tpu.memory_space<hbm>> -> memref<1x50x128xf32, #tpu.memory_space<hbm>>
        %dma_wait3A_347 = tpu.memref_squeeze %dma_wait3A_346 : memref<1x50x128xf32, #tpu.memory_space<hbm>> -> memref<50x128xf32, #tpu.memory_space<hbm>>
        %dma_wait3A_348 = arith.constant 0 : i32
        %dma_wait3A_349 = arith.constant 0 : i32
        %dma_wait3A_350 = tpu.memref_slice %arg4[%mul3A_2, %dma_wait3A_348, %dma_wait3A_349] : memref<4096x50x128xf32, #tpu.memory_space<hbm>> -> memref<1x50x128xf32, #tpu.memory_space<hbm>>
        %dma_wait3A_351 = tpu.memref_squeeze %dma_wait3A_350 : memref<1x50x128xf32, #tpu.memory_space<hbm>> -> memref<50x128xf32, #tpu.memory_space<hbm>>
        tpu.wait_dma2 semaphore(%arg27 : memref<!tpu.dma_semaphore, #tpu.memory_space<semaphore_mem>>) src(%arg11 : memref<50x128xf32, #tpu.memory_space<vmem>>) dst(%dma_wait3A_351 : memref<50x128xf32, #tpu.memory_space<hbm>>)
      } else {
      }
      %dma_start3A_141 = arith.constant 0 : i32
      %dma_start3A_142 = tpu.memref_slice %arg5[%add3A_135, %dma_start3A_141] : memref<128x50xi32, #tpu.memory_space<vmem>> -> memref<1x50xi32, #tpu.memory_space<vmem>>
      %dma_start3A_143 = tpu.memref_squeeze %dma_start3A_142 : memref<1x50xi32, #tpu.memory_space<vmem>> -> memref<50xi32, #tpu.memory_space<vmem>>
      %dma_start3A_144 = arith.constant 0 : i32
      %dma_start3A_145 = arith.constant 0 : i32
      %dma_start3A_146 = tpu.memref_slice %arg6[%dma_start3A_144, %dma_start3A_145] : memref<4096x128xf32, #tpu.memory_space<vmem_shared>> -> memref<4096x128xf32, #tpu.memory_space<vmem_shared>>
      tpu.enqueue_indirect_dma source(%dma_start3A_146 : memref<4096x128xf32, #tpu.memory_space<vmem_shared>>) target(%arg11 : memref<50x128xf32, #tpu.memory_space<vmem>>) offsets(%dma_start3A_143 : memref<50xi32, #tpu.memory_space<vmem>>) semaphore(%arg19 : memref<!tpu.dma_semaphore, #tpu.memory_space<semaphore_mem>>)
      %mul3A_147 = arith.constant 8 : i32
      %mul3A_148 = arith.muli %scan3A_75, %mul3A_147 : i32
      %add3A_149 = arith.constant 5 : i32
      %add3A_150 = arith.addi %mul3A_148, %add3A_149 : i32
      %gt3A_151 = arith.constant 0 : i32
      %gt3A_152 = arith.cmpi sgt, %scan3A_75, %gt3A_151 : i32
      %convert_element_type3A_153 = arith.extui %gt3A_152 : i1 to i32
      %cond3A_154 = arith.constant 0 : i32
      %cond3A_155 = arith.cmpi ne, %convert_element_type3A_153, %cond3A_154 : i32
      scf.if %cond3A_155 {
        %dma_wait3A_344 = arith.constant 0 : i32
        %dma_wait3A_345 = arith.constant 0 : i32
        %dma_wait3A_346 = tpu.memref_slice %arg4[%mul3A_2, %dma_wait3A_344, %dma_wait3A_345] : memref<4096x50x128xf32, #tpu.memory_space<hbm>> -> memref<1x50x128xf32, #tpu.memory_space<hbm>>
        %dma_wait3A_347 = tpu.memref_squeeze %dma_wait3A_346 : memref<1x50x128xf32, #tpu.memory_space<hbm>> -> memref<50x128xf32, #tpu.memory_space<hbm>>
        %dma_wait3A_348 = arith.constant 0 : i32
        %dma_wait3A_349 = arith.constant 0 : i32
        %dma_wait3A_350 = tpu.memref_slice %arg4[%mul3A_2, %dma_wait3A_348, %dma_wait3A_349] : memref<4096x50x128xf32, #tpu.memory_space<hbm>> -> memref<1x50x128xf32, #tpu.memory_space<hbm>>
        %dma_wait3A_351 = tpu.memref_squeeze %dma_wait3A_350 : memref<1x50x128xf32, #tpu.memory_space<hbm>> -> memref<50x128xf32, #tpu.memory_space<hbm>>
        tpu.wait_dma2 semaphore(%arg28 : memref<!tpu.dma_semaphore, #tpu.memory_space<semaphore_mem>>) src(%arg12 : memref<50x128xf32, #tpu.memory_space<vmem>>) dst(%dma_wait3A_351 : memref<50x128xf32, #tpu.memory_space<hbm>>)
      } else {
      }
      %dma_start3A_156 = arith.constant 0 : i32
      %dma_start3A_157 = tpu.memref_slice %arg5[%add3A_150, %dma_start3A_156] : memref<128x50xi32, #tpu.memory_space<vmem>> -> memref<1x50xi32, #tpu.memory_space<vmem>>
      %dma_start3A_158 = tpu.memref_squeeze %dma_start3A_157 : memref<1x50xi32, #tpu.memory_space<vmem>> -> memref<50xi32, #tpu.memory_space<vmem>>
      %dma_start3A_159 = arith.constant 0 : i32
      %dma_start3A_160 = arith.constant 0 : i32
      %dma_start3A_161 = tpu.memref_slice %arg6[%dma_start3A_159, %dma_start3A_160] : memref<4096x128xf32, #tpu.memory_space<vmem_shared>> -> memref<4096x128xf32, #tpu.memory_space<vmem_shared>>
      tpu.enqueue_indirect_dma source(%dma_start3A_161 : memref<4096x128xf32, #tpu.memory_space<vmem_shared>>) target(%arg12 : memref<50x128xf32, #tpu.memory_space<vmem>>) offsets(%dma_start3A_158 : memref<50xi32, #tpu.memory_space<vmem>>) semaphore(%arg20 : memref<!tpu.dma_semaphore, #tpu.memory_space<semaphore_mem>>)
      %mul3A_162 = arith.constant 8 : i32
      %mul3A_163 = arith.muli %scan3A_75, %mul3A_162 : i32
      %add3A_164 = arith.constant 6 : i32
      %add3A_165 = arith.addi %mul3A_163, %add3A_164 : i32
      %gt3A_166 = arith.constant 0 : i32
      %gt3A_167 = arith.cmpi sgt, %scan3A_75, %gt3A_166 : i32
      %convert_element_type3A_168 = arith.extui %gt3A_167 : i1 to i32
      %cond3A_169 = arith.constant 0 : i32
      %cond3A_170 = arith.cmpi ne, %convert_element_type3A_168, %cond3A_169 : i32
      scf.if %cond3A_170 {
        %dma_wait3A_344 = arith.constant 0 : i32
        %dma_wait3A_345 = arith.constant 0 : i32
        %dma_wait3A_346 = tpu.memref_slice %arg4[%mul3A_2, %dma_wait3A_344, %dma_wait3A_345] : memref<4096x50x128xf32, #tpu.memory_space<hbm>> -> memref<1x50x128xf32, #tpu.memory_space<hbm>>
        %dma_wait3A_347 = tpu.memref_squeeze %dma_wait3A_346 : memref<1x50x128xf32, #tpu.memory_space<hbm>> -> memref<50x128xf32, #tpu.memory_space<hbm>>
        %dma_wait3A_348 = arith.constant 0 : i32
        %dma_wait3A_349 = arith.constant 0 : i32
        %dma_wait3A_350 = tpu.memref_slice %arg4[%mul3A_2, %dma_wait3A_348, %dma_wait3A_349] : memref<4096x50x128xf32, #tpu.memory_space<hbm>> -> memref<1x50x128xf32, #tpu.memory_space<hbm>>
        %dma_wait3A_351 = tpu.memref_squeeze %dma_wait3A_350 : memref<1x50x128xf32, #tpu.memory_space<hbm>> -> memref<50x128xf32, #tpu.memory_space<hbm>>
        tpu.wait_dma2 semaphore(%arg29 : memref<!tpu.dma_semaphore, #tpu.memory_space<semaphore_mem>>) src(%arg13 : memref<50x128xf32, #tpu.memory_space<vmem>>) dst(%dma_wait3A_351 : memref<50x128xf32, #tpu.memory_space<hbm>>)
      } else {
      }
      %dma_start3A_171 = arith.constant 0 : i32
      %dma_start3A_172 = tpu.memref_slice %arg5[%add3A_165, %dma_start3A_171] : memref<128x50xi32, #tpu.memory_space<vmem>> -> memref<1x50xi32, #tpu.memory_space<vmem>>
      %dma_start3A_173 = tpu.memref_squeeze %dma_start3A_172 : memref<1x50xi32, #tpu.memory_space<vmem>> -> memref<50xi32, #tpu.memory_space<vmem>>
      %dma_start3A_174 = arith.constant 0 : i32
      %dma_start3A_175 = arith.constant 0 : i32
      %dma_start3A_176 = tpu.memref_slice %arg6[%dma_start3A_174, %dma_start3A_175] : memref<4096x128xf32, #tpu.memory_space<vmem_shared>> -> memref<4096x128xf32, #tpu.memory_space<vmem_shared>>
      tpu.enqueue_indirect_dma source(%dma_start3A_176 : memref<4096x128xf32, #tpu.memory_space<vmem_shared>>) target(%arg13 : memref<50x128xf32, #tpu.memory_space<vmem>>) offsets(%dma_start3A_173 : memref<50xi32, #tpu.memory_space<vmem>>) semaphore(%arg21 : memref<!tpu.dma_semaphore, #tpu.memory_space<semaphore_mem>>)
      %mul3A_177 = arith.constant 8 : i32
      %mul3A_178 = arith.muli %scan3A_75, %mul3A_177 : i32
      %add3A_179 = arith.constant 7 : i32
      %add3A_180 = arith.addi %mul3A_178, %add3A_179 : i32
      %gt3A_181 = arith.constant 0 : i32
      %gt3A_182 = arith.cmpi sgt, %scan3A_75, %gt3A_181 : i32
      %convert_element_type3A_183 = arith.extui %gt3A_182 : i1 to i32
      %cond3A_184 = arith.constant 0 : i32
      %cond3A_185 = arith.cmpi ne, %convert_element_type3A_183, %cond3A_184 : i32
      scf.if %cond3A_185 {
        %dma_wait3A_344 = arith.constant 0 : i32
        %dma_wait3A_345 = arith.constant 0 : i32
        %dma_wait3A_346 = tpu.memref_slice %arg4[%mul3A_2, %dma_wait3A_344, %dma_wait3A_345] : memref<4096x50x128xf32, #tpu.memory_space<hbm>> -> memref<1x50x128xf32, #tpu.memory_space<hbm>>
        %dma_wait3A_347 = tpu.memref_squeeze %dma_wait3A_346 : memref<1x50x128xf32, #tpu.memory_space<hbm>> -> memref<50x128xf32, #tpu.memory_space<hbm>>
        %dma_wait3A_348 = arith.constant 0 : i32
        %dma_wait3A_349 = arith.constant 0 : i32
        %dma_wait3A_350 = tpu.memref_slice %arg4[%mul3A_2, %dma_wait3A_348, %dma_wait3A_349] : memref<4096x50x128xf32, #tpu.memory_space<hbm>> -> memref<1x50x128xf32, #tpu.memory_space<hbm>>
        %dma_wait3A_351 = tpu.memref_squeeze %dma_wait3A_350 : memref<1x50x128xf32, #tpu.memory_space<hbm>> -> memref<50x128xf32, #tpu.memory_space<hbm>>
        tpu.wait_dma2 semaphore(%arg30 : memref<!tpu.dma_semaphore, #tpu.memory_space<semaphore_mem>>) src(%arg14 : memref<50x128xf32, #tpu.memory_space<vmem>>) dst(%dma_wait3A_351 : memref<50x128xf32, #tpu.memory_space<hbm>>)
      } else {
      }
      %dma_start3A_186 = arith.constant 0 : i32
      %dma_start3A_187 = tpu.memref_slice %arg5[%add3A_180, %dma_start3A_186] : memref<128x50xi32, #tpu.memory_space<vmem>> -> memref<1x50xi32, #tpu.memory_space<vmem>>
      %dma_start3A_188 = tpu.memref_squeeze %dma_start3A_187 : memref<1x50xi32, #tpu.memory_space<vmem>> -> memref<50xi32, #tpu.memory_space<vmem>>
      %dma_start3A_189 = arith.constant 0 : i32
      %dma_start3A_190 = arith.constant 0 : i32
      %dma_start3A_191 = tpu.memref_slice %arg6[%dma_start3A_189, %dma_start3A_190] : memref<4096x128xf32, #tpu.memory_space<vmem_shared>> -> memref<4096x128xf32, #tpu.memory_space<vmem_shared>>
      tpu.enqueue_indirect_dma source(%dma_start3A_191 : memref<4096x128xf32, #tpu.memory_space<vmem_shared>>) target(%arg14 : memref<50x128xf32, #tpu.memory_space<vmem>>) offsets(%dma_start3A_188 : memref<50xi32, #tpu.memory_space<vmem>>) semaphore(%arg22 : memref<!tpu.dma_semaphore, #tpu.memory_space<semaphore_mem>>)
      %mul3A_192 = arith.constant 8 : i32
      %mul3A_193 = arith.muli %scan3A_75, %mul3A_192 : i32
      %add3A_194 = arith.constant 0 : i32
      %add3A_195 = arith.addi %mul3A_193, %add3A_194 : i32
      %dma_wait3A_196 = arith.constant 0 : i32
      %dma_wait3A_197 = tpu.memref_slice %arg5[%add3A_79, %dma_wait3A_196] : memref<128x50xi32, #tpu.memory_space<vmem>> -> memref<1x50xi32, #tpu.memory_space<vmem>>
      %dma_wait3A_198 = tpu.memref_squeeze %dma_wait3A_197 : memref<1x50xi32, #tpu.memory_space<vmem>> -> memref<50xi32, #tpu.memory_space<vmem>>
      %dma_wait3A_199 = arith.constant 0 : i32
      %dma_wait3A_200 = arith.constant 0 : i32
      %dma_wait3A_201 = tpu.memref_slice %arg6[%dma_wait3A_199, %dma_wait3A_200] : memref<4096x128xf32, #tpu.memory_space<vmem_shared>> -> memref<4096x128xf32, #tpu.memory_space<vmem_shared>>
      tpu.wait_indirect_dma semaphore(%arg15 : memref<!tpu.dma_semaphore, #tpu.memory_space<semaphore_mem>>) src(%dma_wait3A_201 : memref<4096x128xf32, #tpu.memory_space<vmem_shared>>) dst(%arg7 : memref<50x128xf32, #tpu.memory_space<vmem>>)
      %add3A_202 = arith.addi %mul3A_2, %add3A_195 : i32
      %dma_start3A_203 = arith.constant 0 : i32
      %dma_start3A_204 = arith.constant 0 : i32
      %dma_start3A_205 = tpu.memref_slice %arg4[%add3A_202, %dma_start3A_203, %dma_start3A_204] : memref<4096x50x128xf32, #tpu.memory_space<hbm>> -> memref<1x50x128xf32, #tpu.memory_space<hbm>>
      %dma_start3A_206 = tpu.memref_squeeze %dma_start3A_205 : memref<1x50x128xf32, #tpu.memory_space<hbm>> -> memref<50x128xf32, #tpu.memory_space<hbm>>
      %dma_start3A_207 = arith.constant 0 : i32
      %dma_start3A_208 = arith.constant 0 : i32
      %dma_start3A_209 = tpu.memref_slice %arg4[%add3A_202, %dma_start3A_207, %dma_start3A_208] : memref<4096x50x128xf32, #tpu.memory_space<hbm>> -> memref<1x50x128xf32, #tpu.memory_space<hbm>>
      %dma_start3A_210 = tpu.memref_squeeze %dma_start3A_209 : memref<1x50x128xf32, #tpu.memory_space<hbm>> -> memref<50x128xf32, #tpu.memory_space<hbm>>
      tpu.enqueue_dma source(%arg7 : memref<50x128xf32, #tpu.memory_space<vmem>>) target(%dma_start3A_210 : memref<50x128xf32, #tpu.memory_space<hbm>>) target_semaphore(%arg23 : memref<!tpu.dma_semaphore, #tpu.memory_space<semaphore_mem>>)
      %mul3A_211 = arith.constant 8 : i32
      %mul3A_212 = arith.muli %scan3A_75, %mul3A_211 : i32
      %add3A_213 = arith.constant 1 : i32
      %add3A_214 = arith.addi %mul3A_212, %add3A_213 : i32
      %dma_wait3A_215 = arith.constant 0 : i32
      %dma_wait3A_216 = tpu.memref_slice %arg5[%add3A_90, %dma_wait3A_215] : memref<128x50xi32, #tpu.memory_space<vmem>> -> memref<1x50xi32, #tpu.memory_space<vmem>>
      %dma_wait3A_217 = tpu.memref_squeeze %dma_wait3A_216 : memref<1x50xi32, #tpu.memory_space<vmem>> -> memref<50xi32, #tpu.memory_space<vmem>>
      %dma_wait3A_218 = arith.constant 0 : i32
      %dma_wait3A_219 = arith.constant 0 : i32
      %dma_wait3A_220 = tpu.memref_slice %arg6[%dma_wait3A_218, %dma_wait3A_219] : memref<4096x128xf32, #tpu.memory_space<vmem_shared>> -> memref<4096x128xf32, #tpu.memory_space<vmem_shared>>
      tpu.wait_indirect_dma semaphore(%arg16 : memref<!tpu.dma_semaphore, #tpu.memory_space<semaphore_mem>>) src(%dma_wait3A_220 : memref<4096x128xf32, #tpu.memory_space<vmem_shared>>) dst(%arg8 : memref<50x128xf32, #tpu.memory_space<vmem>>)
      %add3A_221 = arith.addi %mul3A_2, %add3A_214 : i32
      %dma_start3A_222 = arith.constant 0 : i32
      %dma_start3A_223 = arith.constant 0 : i32
      %dma_start3A_224 = tpu.memref_slice %arg4[%add3A_221, %dma_start3A_222, %dma_start3A_223] : memref<4096x50x128xf32, #tpu.memory_space<hbm>> -> memref<1x50x128xf32, #tpu.memory_space<hbm>>
      %dma_start3A_225 = tpu.memref_squeeze %dma_start3A_224 : memref<1x50x128xf32, #tpu.memory_space<hbm>> -> memref<50x128xf32, #tpu.memory_space<hbm>>
      %dma_start3A_226 = arith.constant 0 : i32
      %dma_start3A_227 = arith.constant 0 : i32
      %dma_start3A_228 = tpu.memref_slice %arg4[%add3A_221, %dma_start3A_226, %dma_start3A_227] : memref<4096x50x128xf32, #tpu.memory_space<hbm>> -> memref<1x50x128xf32, #tpu.memory_space<hbm>>
      %dma_start3A_229 = tpu.memref_squeeze %dma_start3A_228 : memref<1x50x128xf32, #tpu.memory_space<hbm>> -> memref<50x128xf32, #tpu.memory_space<hbm>>
      tpu.enqueue_dma source(%arg8 : memref<50x128xf32, #tpu.memory_space<vmem>>) target(%dma_start3A_229 : memref<50x128xf32, #tpu.memory_space<hbm>>) target_semaphore(%arg24 : memref<!tpu.dma_semaphore, #tpu.memory_space<semaphore_mem>>)
      %mul3A_230 = arith.constant 8 : i32
      %mul3A_231 = arith.muli %scan3A_75, %mul3A_230 : i32
      %add3A_232 = arith.constant 2 : i32
      %add3A_233 = arith.addi %mul3A_231, %add3A_232 : i32
      %dma_wait3A_234 = arith.constant 0 : i32
      %dma_wait3A_235 = tpu.memref_slice %arg5[%add3A_105, %dma_wait3A_234] : memref<128x50xi32, #tpu.memory_space<vmem>> -> memref<1x50xi32, #tpu.memory_space<vmem>>
      %dma_wait3A_236 = tpu.memref_squeeze %dma_wait3A_235 : memref<1x50xi32, #tpu.memory_space<vmem>> -> memref<50xi32, #tpu.memory_space<vmem>>
      %dma_wait3A_237 = arith.constant 0 : i32
      %dma_wait3A_238 = arith.constant 0 : i32
      %dma_wait3A_239 = tpu.memref_slice %arg6[%dma_wait3A_237, %dma_wait3A_238] : memref<4096x128xf32, #tpu.memory_space<vmem_shared>> -> memref<4096x128xf32, #tpu.memory_space<vmem_shared>>
      tpu.wait_indirect_dma semaphore(%arg17 : memref<!tpu.dma_semaphore, #tpu.memory_space<semaphore_mem>>) src(%dma_wait3A_239 : memref<4096x128xf32, #tpu.memory_space<vmem_shared>>) dst(%arg9 : memref<50x128xf32, #tpu.memory_space<vmem>>)
      %add3A_240 = arith.addi %mul3A_2, %add3A_233 : i32
      %dma_start3A_241 = arith.constant 0 : i32
      %dma_start3A_242 = arith.constant 0 : i32
      %dma_start3A_243 = tpu.memref_slice %arg4[%add3A_240, %dma_start3A_241, %dma_start3A_242] : memref<4096x50x128xf32, #tpu.memory_space<hbm>> -> memref<1x50x128xf32, #tpu.memory_space<hbm>>
      %dma_start3A_244 = tpu.memref_squeeze %dma_start3A_243 : memref<1x50x128xf32, #tpu.memory_space<hbm>> -> memref<50x128xf32, #tpu.memory_space<hbm>>
      %dma_start3A_245 = arith.constant 0 : i32
      %dma_start3A_246 = arith.constant 0 : i32
      %dma_start3A_247 = tpu.memref_slice %arg4[%add3A_240, %dma_start3A_245, %dma_start3A_246] : memref<4096x50x128xf32, #tpu.memory_space<hbm>> -> memref<1x50x128xf32, #tpu.memory_space<hbm>>
      %dma_start3A_248 = tpu.memref_squeeze %dma_start3A_247 : memref<1x50x128xf32, #tpu.memory_space<hbm>> -> memref<50x128xf32, #tpu.memory_space<hbm>>
      tpu.enqueue_dma source(%arg9 : memref<50x128xf32, #tpu.memory_space<vmem>>) target(%dma_start3A_248 : memref<50x128xf32, #tpu.memory_space<hbm>>) target_semaphore(%arg25 : memref<!tpu.dma_semaphore, #tpu.memory_space<semaphore_mem>>)
      %mul3A_249 = arith.constant 8 : i32
      %mul3A_250 = arith.muli %scan3A_75, %mul3A_249 : i32
      %add3A_251 = arith.constant 3 : i32
      %add3A_252 = arith.addi %mul3A_250, %add3A_251 : i32
      %dma_wait3A_253 = arith.constant 0 : i32
      %dma_wait3A_254 = tpu.memref_slice %arg5[%add3A_120, %dma_wait3A_253] : memref<128x50xi32, #tpu.memory_space<vmem>> -> memref<1x50xi32, #tpu.memory_space<vmem>>
      %dma_wait3A_255 = tpu.memref_squeeze %dma_wait3A_254 : memref<1x50xi32, #tpu.memory_space<vmem>> -> memref<50xi32, #tpu.memory_space<vmem>>
      %dma_wait3A_256 = arith.constant 0 : i32
      %dma_wait3A_257 = arith.constant 0 : i32
      %dma_wait3A_258 = tpu.memref_slice %arg6[%dma_wait3A_256, %dma_wait3A_257] : memref<4096x128xf32, #tpu.memory_space<vmem_shared>> -> memref<4096x128xf32, #tpu.memory_space<vmem_shared>>
      tpu.wait_indirect_dma semaphore(%arg18 : memref<!tpu.dma_semaphore, #tpu.memory_space<semaphore_mem>>) src(%dma_wait3A_258 : memref<4096x128xf32, #tpu.memory_space<vmem_shared>>) dst(%arg10 : memref<50x128xf32, #tpu.memory_space<vmem>>)
      %add3A_259 = arith.addi %mul3A_2, %add3A_252 : i32
      %dma_start3A_260 = arith.constant 0 : i32
      %dma_start3A_261 = arith.constant 0 : i32
      %dma_start3A_262 = tpu.memref_slice %arg4[%add3A_259, %dma_start3A_260, %dma_start3A_261] : memref<4096x50x128xf32, #tpu.memory_space<hbm>> -> memref<1x50x128xf32, #tpu.memory_space<hbm>>
      %dma_start3A_263 = tpu.memref_squeeze %dma_start3A_262 : memref<1x50x128xf32, #tpu.memory_space<hbm>> -> memref<50x128xf32, #tpu.memory_space<hbm>>
      %dma_start3A_264 = arith.constant 0 : i32
      %dma_start3A_265 = arith.constant 0 : i32
      %dma_start3A_266 = tpu.memref_slice %arg4[%add3A_259, %dma_start3A_264, %dma_start3A_265] : memref<4096x50x128xf32, #tpu.memory_space<hbm>> -> memref<1x50x128xf32, #tpu.memory_space<hbm>>
      %dma_start3A_267 = tpu.memref_squeeze %dma_start3A_266 : memref<1x50x128xf32, #tpu.memory_space<hbm>> -> memref<50x128xf32, #tpu.memory_space<hbm>>
      tpu.enqueue_dma source(%arg10 : memref<50x128xf32, #tpu.memory_space<vmem>>) target(%dma_start3A_267 : memref<50x128xf32, #tpu.memory_space<hbm>>) target_semaphore(%arg26 : memref<!tpu.dma_semaphore, #tpu.memory_space<semaphore_mem>>)
      %mul3A_268 = arith.constant 8 : i32
      %mul3A_269 = arith.muli %scan3A_75, %mul3A_268 : i32
      %add3A_270 = arith.constant 4 : i32
      %add3A_271 = arith.addi %mul3A_269, %add3A_270 : i32
      %dma_wait3A_272 = arith.constant 0 : i32
      %dma_wait3A_273 = tpu.memref_slice %arg5[%add3A_135, %dma_wait3A_272] : memref<128x50xi32, #tpu.memory_space<vmem>> -> memref<1x50xi32, #tpu.memory_space<vmem>>
      %dma_wait3A_274 = tpu.memref_squeeze %dma_wait3A_273 : memref<1x50xi32, #tpu.memory_space<vmem>> -> memref<50xi32, #tpu.memory_space<vmem>>
      %dma_wait3A_275 = arith.constant 0 : i32
      %dma_wait3A_276 = arith.constant 0 : i32
      %dma_wait3A_277 = tpu.memref_slice %arg6[%dma_wait3A_275, %dma_wait3A_276] : memref<4096x128xf32, #tpu.memory_space<vmem_shared>> -> memref<4096x128xf32, #tpu.memory_space<vmem_shared>>
      tpu.wait_indirect_dma semaphore(%arg19 : memref<!tpu.dma_semaphore, #tpu.memory_space<semaphore_mem>>) src(%dma_wait3A_277 : memref<4096x128xf32, #tpu.memory_space<vmem_shared>>) dst(%arg11 : memref<50x128xf32, #tpu.memory_space<vmem>>)
      %add3A_278 = arith.addi %mul3A_2, %add3A_271 : i32
      %dma_start3A_279 = arith.constant 0 : i32
      %dma_start3A_280 = arith.constant 0 : i32
      %dma_start3A_281 = tpu.memref_slice %arg4[%add3A_278, %dma_start3A_279, %dma_start3A_280] : memref<4096x50x128xf32, #tpu.memory_space<hbm>> -> memref<1x50x128xf32, #tpu.memory_space<hbm>>
      %dma_start3A_282 = tpu.memref_squeeze %dma_start3A_281 : memref<1x50x128xf32, #tpu.memory_space<hbm>> -> memref<50x128xf32, #tpu.memory_space<hbm>>
      %dma_start3A_283 = arith.constant 0 : i32
      %dma_start3A_284 = arith.constant 0 : i32
      %dma_start3A_285 = tpu.memref_slice %arg4[%add3A_278, %dma_start3A_283, %dma_start3A_284] : memref<4096x50x128xf32, #tpu.memory_space<hbm>> -> memref<1x50x128xf32, #tpu.memory_space<hbm>>
      %dma_start3A_286 = tpu.memref_squeeze %dma_start3A_285 : memref<1x50x128xf32, #tpu.memory_space<hbm>> -> memref<50x128xf32, #tpu.memory_space<hbm>>
      tpu.enqueue_dma source(%arg11 : memref<50x128xf32, #tpu.memory_space<vmem>>) target(%dma_start3A_286 : memref<50x128xf32, #tpu.memory_space<hbm>>) target_semaphore(%arg27 : memref<!tpu.dma_semaphore, #tpu.memory_space<semaphore_mem>>)
      %mul3A_287 = arith.constant 8 : i32
      %mul3A_288 = arith.muli %scan3A_75, %mul3A_287 : i32
      %add3A_289 = arith.constant 5 : i32
      %add3A_290 = arith.addi %mul3A_288, %add3A_289 : i32
      %dma_wait3A_291 = arith.constant 0 : i32
      %dma_wait3A_292 = tpu.memref_slice %arg5[%add3A_150, %dma_wait3A_291] : memref<128x50xi32, #tpu.memory_space<vmem>> -> memref<1x50xi32, #tpu.memory_space<vmem>>
      %dma_wait3A_293 = tpu.memref_squeeze %dma_wait3A_292 : memref<1x50xi32, #tpu.memory_space<vmem>> -> memref<50xi32, #tpu.memory_space<vmem>>
      %dma_wait3A_294 = arith.constant 0 : i32
      %dma_wait3A_295 = arith.constant 0 : i32
      %dma_wait3A_296 = tpu.memref_slice %arg6[%dma_wait3A_294, %dma_wait3A_295] : memref<4096x128xf32, #tpu.memory_space<vmem_shared>> -> memref<4096x128xf32, #tpu.memory_space<vmem_shared>>
      tpu.wait_indirect_dma semaphore(%arg20 : memref<!tpu.dma_semaphore, #tpu.memory_space<semaphore_mem>>) src(%dma_wait3A_296 : memref<4096x128xf32, #tpu.memory_space<vmem_shared>>) dst(%arg12 : memref<50x128xf32, #tpu.memory_space<vmem>>)
      %add3A_297 = arith.addi %mul3A_2, %add3A_290 : i32
      %dma_start3A_298 = arith.constant 0 : i32
      %dma_start3A_299 = arith.constant 0 : i32
      %dma_start3A_300 = tpu.memref_slice %arg4[%add3A_297, %dma_start3A_298, %dma_start3A_299] : memref<4096x50x128xf32, #tpu.memory_space<hbm>> -> memref<1x50x128xf32, #tpu.memory_space<hbm>>
      %dma_start3A_301 = tpu.memref_squeeze %dma_start3A_300 : memref<1x50x128xf32, #tpu.memory_space<hbm>> -> memref<50x128xf32, #tpu.memory_space<hbm>>
      %dma_start3A_302 = arith.constant 0 : i32
      %dma_start3A_303 = arith.constant 0 : i32
      %dma_start3A_304 = tpu.memref_slice %arg4[%add3A_297, %dma_start3A_302, %dma_start3A_303] : memref<4096x50x128xf32, #tpu.memory_space<hbm>> -> memref<1x50x128xf32, #tpu.memory_space<hbm>>
      %dma_start3A_305 = tpu.memref_squeeze %dma_start3A_304 : memref<1x50x128xf32, #tpu.memory_space<hbm>> -> memref<50x128xf32, #tpu.memory_space<hbm>>
      tpu.enqueue_dma source(%arg12 : memref<50x128xf32, #tpu.memory_space<vmem>>) target(%dma_start3A_305 : memref<50x128xf32, #tpu.memory_space<hbm>>) target_semaphore(%arg28 : memref<!tpu.dma_semaphore, #tpu.memory_space<semaphore_mem>>)
      %mul3A_306 = arith.constant 8 : i32
      %mul3A_307 = arith.muli %scan3A_75, %mul3A_306 : i32
      %add3A_308 = arith.constant 6 : i32
      %add3A_309 = arith.addi %mul3A_307, %add3A_308 : i32
      %dma_wait3A_310 = arith.constant 0 : i32
      %dma_wait3A_311 = tpu.memref_slice %arg5[%add3A_165, %dma_wait3A_310] : memref<128x50xi32, #tpu.memory_space<vmem>> -> memref<1x50xi32, #tpu.memory_space<vmem>>
      %dma_wait3A_312 = tpu.memref_squeeze %dma_wait3A_311 : memref<1x50xi32, #tpu.memory_space<vmem>> -> memref<50xi32, #tpu.memory_space<vmem>>
      %dma_wait3A_313 = arith.constant 0 : i32
      %dma_wait3A_314 = arith.constant 0 : i32
      %dma_wait3A_315 = tpu.memref_slice %arg6[%dma_wait3A_313, %dma_wait3A_314] : memref<4096x128xf32, #tpu.memory_space<vmem_shared>> -> memref<4096x128xf32, #tpu.memory_space<vmem_shared>>
      tpu.wait_indirect_dma semaphore(%arg21 : memref<!tpu.dma_semaphore, #tpu.memory_space<semaphore_mem>>) src(%dma_wait3A_315 : memref<4096x128xf32, #tpu.memory_space<vmem_shared>>) dst(%arg13 : memref<50x128xf32, #tpu.memory_space<vmem>>)
      %add3A_316 = arith.addi %mul3A_2, %add3A_309 : i32
      %dma_start3A_317 = arith.constant 0 : i32
      %dma_start3A_318 = arith.constant 0 : i32
      %dma_start3A_319 = tpu.memref_slice %arg4[%add3A_316, %dma_start3A_317, %dma_start3A_318] : memref<4096x50x128xf32, #tpu.memory_space<hbm>> -> memref<1x50x128xf32, #tpu.memory_space<hbm>>
      %dma_start3A_320 = tpu.memref_squeeze %dma_start3A_319 : memref<1x50x128xf32, #tpu.memory_space<hbm>> -> memref<50x128xf32, #tpu.memory_space<hbm>>
      %dma_start3A_321 = arith.constant 0 : i32
      %dma_start3A_322 = arith.constant 0 : i32
      %dma_start3A_323 = tpu.memref_slice %arg4[%add3A_316, %dma_start3A_321, %dma_start3A_322] : memref<4096x50x128xf32, #tpu.memory_space<hbm>> -> memref<1x50x128xf32, #tpu.memory_space<hbm>>
      %dma_start3A_324 = tpu.memref_squeeze %dma_start3A_323 : memref<1x50x128xf32, #tpu.memory_space<hbm>> -> memref<50x128xf32, #tpu.memory_space<hbm>>
      tpu.enqueue_dma source(%arg13 : memref<50x128xf32, #tpu.memory_space<vmem>>) target(%dma_start3A_324 : memref<50x128xf32, #tpu.memory_space<hbm>>) target_semaphore(%arg29 : memref<!tpu.dma_semaphore, #tpu.memory_space<semaphore_mem>>)
      %mul3A_325 = arith.constant 8 : i32
      %mul3A_326 = arith.muli %scan3A_75, %mul3A_325 : i32
      %add3A_327 = arith.constant 7 : i32
      %add3A_328 = arith.addi %mul3A_326, %add3A_327 : i32
      %dma_wait3A_329 = arith.constant 0 : i32
      %dma_wait3A_330 = tpu.memref_slice %arg5[%add3A_180, %dma_wait3A_329] : memref<128x50xi32, #tpu.memory_space<vmem>> -> memref<1x50xi32, #tpu.memory_space<vmem>>
      %dma_wait3A_331 = tpu.memref_squeeze %dma_wait3A_330 : memref<1x50xi32, #tpu.memory_space<vmem>> -> memref<50xi32, #tpu.memory_space<vmem>>
      %dma_wait3A_332 = arith.constant 0 : i32
      %dma_wait3A_333 = arith.constant 0 : i32
      %dma_wait3A_334 = tpu.memref_slice %arg6[%dma_wait3A_332, %dma_wait3A_333] : memref<4096x128xf32, #tpu.memory_space<vmem_shared>> -> memref<4096x128xf32, #tpu.memory_space<vmem_shared>>
      tpu.wait_indirect_dma semaphore(%arg22 : memref<!tpu.dma_semaphore, #tpu.memory_space<semaphore_mem>>) src(%dma_wait3A_334 : memref<4096x128xf32, #tpu.memory_space<vmem_shared>>) dst(%arg14 : memref<50x128xf32, #tpu.memory_space<vmem>>)
      %add3A_335 = arith.addi %mul3A_2, %add3A_328 : i32
      %dma_start3A_336 = arith.constant 0 : i32
      %dma_start3A_337 = arith.constant 0 : i32
      %dma_start3A_338 = tpu.memref_slice %arg4[%add3A_335, %dma_start3A_336, %dma_start3A_337] : memref<4096x50x128xf32, #tpu.memory_space<hbm>> -> memref<1x50x128xf32, #tpu.memory_space<hbm>>
      %dma_start3A_339 = tpu.memref_squeeze %dma_start3A_338 : memref<1x50x128xf32, #tpu.memory_space<hbm>> -> memref<50x128xf32, #tpu.memory_space<hbm>>
      %dma_start3A_340 = arith.constant 0 : i32
      %dma_start3A_341 = arith.constant 0 : i32
      %dma_start3A_342 = tpu.memref_slice %arg4[%add3A_335, %dma_start3A_340, %dma_start3A_341] : memref<4096x50x128xf32, #tpu.memory_space<hbm>> -> memref<1x50x128xf32, #tpu.memory_space<hbm>>
      %dma_start3A_343 = tpu.memref_squeeze %dma_start3A_342 : memref<1x50x128xf32, #tpu.memory_space<hbm>> -> memref<50x128xf32, #tpu.memory_space<hbm>>
      tpu.enqueue_dma source(%arg14 : memref<50x128xf32, #tpu.memory_space<vmem>>) target(%dma_start3A_343 : memref<50x128xf32, #tpu.memory_space<hbm>>) target_semaphore(%arg30 : memref<!tpu.dma_semaphore, #tpu.memory_space<semaphore_mem>>)
    }
    %scan3A_11 = arith.constant 16 : i32
    %dma_wait3A = arith.constant 0 : i32
    %dma_wait3A_12 = arith.constant 0 : i32
    %dma_wait3A_13 = tpu.memref_slice %arg4[%mul3A_2, %dma_wait3A, %dma_wait3A_12] : memref<4096x50x128xf32, #tpu.memory_space<hbm>> -> memref<1x50x128xf32, #tpu.memory_space<hbm>>
    %dma_wait3A_14 = tpu.memref_squeeze %dma_wait3A_13 : memref<1x50x128xf32, #tpu.memory_space<hbm>> -> memref<50x128xf32, #tpu.memory_space<hbm>>
    %dma_wait3A_15 = arith.constant 0 : i32
    %dma_wait3A_16 = arith.constant 0 : i32
    %dma_wait3A_17 = tpu.memref_slice %arg4[%mul3A_2, %dma_wait3A_15, %dma_wait3A_16] : memref<4096x50x128xf32, #tpu.memory_space<hbm>> -> memref<1x50x128xf32, #tpu.memory_space<hbm>>
    %dma_wait3A_18 = tpu.memref_squeeze %dma_wait3A_17 : memref<1x50x128xf32, #tpu.memory_space<hbm>> -> memref<50x128xf32, #tpu.memory_space<hbm>>
    tpu.wait_dma2 semaphore(%arg23 : memref<!tpu.dma_semaphore, #tpu.memory_space<semaphore_mem>>) src(%arg7 : memref<50x128xf32, #tpu.memory_space<vmem>>) dst(%dma_wait3A_18 : memref<50x128xf32, #tpu.memory_space<hbm>>)
    %dma_wait3A_19 = arith.constant 0 : i32
    %dma_wait3A_20 = arith.constant 0 : i32
    %dma_wait3A_21 = tpu.memref_slice %arg4[%mul3A_2, %dma_wait3A_19, %dma_wait3A_20] : memref<4096x50x128xf32, #tpu.memory_space<hbm>> -> memref<1x50x128xf32, #tpu.memory_space<hbm>>
    %dma_wait3A_22 = tpu.memref_squeeze %dma_wait3A_21 : memref<1x50x128xf32, #tpu.memory_space<hbm>> -> memref<50x128xf32, #tpu.memory_space<hbm>>
    %dma_wait3A_23 = arith.constant 0 : i32
    %dma_wait3A_24 = arith.constant 0 : i32
    %dma_wait3A_25 = tpu.memref_slice %arg4[%mul3A_2, %dma_wait3A_23, %dma_wait3A_24] : memref<4096x50x128xf32, #tpu.memory_space<hbm>> -> memref<1x50x128xf32, #tpu.memory_space<hbm>>
    %dma_wait3A_26 = tpu.memref_squeeze %dma_wait3A_25 : memref<1x50x128xf32, #tpu.memory_space<hbm>> -> memref<50x128xf32, #tpu.memory_space<hbm>>
    tpu.wait_dma2 semaphore(%arg24 : memref<!tpu.dma_semaphore, #tpu.memory_space<semaphore_mem>>) src(%arg8 : memref<50x128xf32, #tpu.memory_space<vmem>>) dst(%dma_wait3A_26 : memref<50x128xf32, #tpu.memory_space<hbm>>)
    %dma_wait3A_27 = arith.constant 0 : i32
    %dma_wait3A_28 = arith.constant 0 : i32
    %dma_wait3A_29 = tpu.memref_slice %arg4[%mul3A_2, %dma_wait3A_27, %dma_wait3A_28] : memref<4096x50x128xf32, #tpu.memory_space<hbm>> -> memref<1x50x128xf32, #tpu.memory_space<hbm>>
    %dma_wait3A_30 = tpu.memref_squeeze %dma_wait3A_29 : memref<1x50x128xf32, #tpu.memory_space<hbm>> -> memref<50x128xf32, #tpu.memory_space<hbm>>
    %dma_wait3A_31 = arith.constant 0 : i32
    %dma_wait3A_32 = arith.constant 0 : i32
    %dma_wait3A_33 = tpu.memref_slice %arg4[%mul3A_2, %dma_wait3A_31, %dma_wait3A_32] : memref<4096x50x128xf32, #tpu.memory_space<hbm>> -> memref<1x50x128xf32, #tpu.memory_space<hbm>>
    %dma_wait3A_34 = tpu.memref_squeeze %dma_wait3A_33 : memref<1x50x128xf32, #tpu.memory_space<hbm>> -> memref<50x128xf32, #tpu.memory_space<hbm>>
    tpu.wait_dma2 semaphore(%arg25 : memref<!tpu.dma_semaphore, #tpu.memory_space<semaphore_mem>>) src(%arg9 : memref<50x128xf32, #tpu.memory_space<vmem>>) dst(%dma_wait3A_34 : memref<50x128xf32, #tpu.memory_space<hbm>>)
    %dma_wait3A_35 = arith.constant 0 : i32
    %dma_wait3A_36 = arith.constant 0 : i32
    %dma_wait3A_37 = tpu.memref_slice %arg4[%mul3A_2, %dma_wait3A_35, %dma_wait3A_36] : memref<4096x50x128xf32, #tpu.memory_space<hbm>> -> memref<1x50x128xf32, #tpu.memory_space<hbm>>
    %dma_wait3A_38 = tpu.memref_squeeze %dma_wait3A_37 : memref<1x50x128xf32, #tpu.memory_space<hbm>> -> memref<50x128xf32, #tpu.memory_space<hbm>>
    %dma_wait3A_39 = arith.constant 0 : i32
    %dma_wait3A_40 = arith.constant 0 : i32
    %dma_wait3A_41 = tpu.memref_slice %arg4[%mul3A_2, %dma_wait3A_39, %dma_wait3A_40] : memref<4096x50x128xf32, #tpu.memory_space<hbm>> -> memref<1x50x128xf32, #tpu.memory_space<hbm>>
    %dma_wait3A_42 = tpu.memref_squeeze %dma_wait3A_41 : memref<1x50x128xf32, #tpu.memory_space<hbm>> -> memref<50x128xf32, #tpu.memory_space<hbm>>
    tpu.wait_dma2 semaphore(%arg26 : memref<!tpu.dma_semaphore, #tpu.memory_space<semaphore_mem>>) src(%arg10 : memref<50x128xf32, #tpu.memory_space<vmem>>) dst(%dma_wait3A_42 : memref<50x128xf32, #tpu.memory_space<hbm>>)
    %dma_wait3A_43 = arith.constant 0 : i32
    %dma_wait3A_44 = arith.constant 0 : i32
    %dma_wait3A_45 = tpu.memref_slice %arg4[%mul3A_2, %dma_wait3A_43, %dma_wait3A_44] : memref<4096x50x128xf32, #tpu.memory_space<hbm>> -> memref<1x50x128xf32, #tpu.memory_space<hbm>>
    %dma_wait3A_46 = tpu.memref_squeeze %dma_wait3A_45 : memref<1x50x128xf32, #tpu.memory_space<hbm>> -> memref<50x128xf32, #tpu.memory_space<hbm>>
    %dma_wait3A_47 = arith.constant 0 : i32
    %dma_wait3A_48 = arith.constant 0 : i32
    %dma_wait3A_49 = tpu.memref_slice %arg4[%mul3A_2, %dma_wait3A_47, %dma_wait3A_48] : memref<4096x50x128xf32, #tpu.memory_space<hbm>> -> memref<1x50x128xf32, #tpu.memory_space<hbm>>
    %dma_wait3A_50 = tpu.memref_squeeze %dma_wait3A_49 : memref<1x50x128xf32, #tpu.memory_space<hbm>> -> memref<50x128xf32, #tpu.memory_space<hbm>>
    tpu.wait_dma2 semaphore(%arg27 : memref<!tpu.dma_semaphore, #tpu.memory_space<semaphore_mem>>) src(%arg11 : memref<50x128xf32, #tpu.memory_space<vmem>>) dst(%dma_wait3A_50 : memref<50x128xf32, #tpu.memory_space<hbm>>)
    %dma_wait3A_51 = arith.constant 0 : i32
    %dma_wait3A_52 = arith.constant 0 : i32
    %dma_wait3A_53 = tpu.memref_slice %arg4[%mul3A_2, %dma_wait3A_51, %dma_wait3A_52] : memref<4096x50x128xf32, #tpu.memory_space<hbm>> -> memref<1x50x128xf32, #tpu.memory_space<hbm>>
    %dma_wait3A_54 = tpu.memref_squeeze %dma_wait3A_53 : memref<1x50x128xf32, #tpu.memory_space<hbm>> -> memref<50x128xf32, #tpu.memory_space<hbm>>
    %dma_wait3A_55 = arith.constant 0 : i32
    %dma_wait3A_56 = arith.constant 0 : i32
    %dma_wait3A_57 = tpu.memref_slice %arg4[%mul3A_2, %dma_wait3A_55, %dma_wait3A_56] : memref<4096x50x128xf32, #tpu.memory_space<hbm>> -> memref<1x50x128xf32, #tpu.memory_space<hbm>>
    %dma_wait3A_58 = tpu.memref_squeeze %dma_wait3A_57 : memref<1x50x128xf32, #tpu.memory_space<hbm>> -> memref<50x128xf32, #tpu.memory_space<hbm>>
    tpu.wait_dma2 semaphore(%arg28 : memref<!tpu.dma_semaphore, #tpu.memory_space<semaphore_mem>>) src(%arg12 : memref<50x128xf32, #tpu.memory_space<vmem>>) dst(%dma_wait3A_58 : memref<50x128xf32, #tpu.memory_space<hbm>>)
    %dma_wait3A_59 = arith.constant 0 : i32
    %dma_wait3A_60 = arith.constant 0 : i32
    %dma_wait3A_61 = tpu.memref_slice %arg4[%mul3A_2, %dma_wait3A_59, %dma_wait3A_60] : memref<4096x50x128xf32, #tpu.memory_space<hbm>> -> memref<1x50x128xf32, #tpu.memory_space<hbm>>
    %dma_wait3A_62 = tpu.memref_squeeze %dma_wait3A_61 : memref<1x50x128xf32, #tpu.memory_space<hbm>> -> memref<50x128xf32, #tpu.memory_space<hbm>>
    %dma_wait3A_63 = arith.constant 0 : i32
    %dma_wait3A_64 = arith.constant 0 : i32
    %dma_wait3A_65 = tpu.memref_slice %arg4[%mul3A_2, %dma_wait3A_63, %dma_wait3A_64] : memref<4096x50x128xf32, #tpu.memory_space<hbm>> -> memref<1x50x128xf32, #tpu.memory_space<hbm>>
    %dma_wait3A_66 = tpu.memref_squeeze %dma_wait3A_65 : memref<1x50x128xf32, #tpu.memory_space<hbm>> -> memref<50x128xf32, #tpu.memory_space<hbm>>
    tpu.wait_dma2 semaphore(%arg29 : memref<!tpu.dma_semaphore, #tpu.memory_space<semaphore_mem>>) src(%arg13 : memref<50x128xf32, #tpu.memory_space<vmem>>) dst(%dma_wait3A_66 : memref<50x128xf32, #tpu.memory_space<hbm>>)
    %dma_wait3A_67 = arith.constant 0 : i32
    %dma_wait3A_68 = arith.constant 0 : i32
    %dma_wait3A_69 = tpu.memref_slice %arg4[%mul3A_2, %dma_wait3A_67, %dma_wait3A_68] : memref<4096x50x128xf32, #tpu.memory_space<hbm>> -> memref<1x50x128xf32, #tpu.memory_space<hbm>>
    %dma_wait3A_70 = tpu.memref_squeeze %dma_wait3A_69 : memref<1x50x128xf32, #tpu.memory_space<hbm>> -> memref<50x128xf32, #tpu.memory_space<hbm>>
    %dma_wait3A_71 = arith.constant 0 : i32
    %dma_wait3A_72 = arith.constant 0 : i32
    %dma_wait3A_73 = tpu.memref_slice %arg4[%mul3A_2, %dma_wait3A_71, %dma_wait3A_72] : memref<4096x50x128xf32, #tpu.memory_space<hbm>> -> memref<1x50x128xf32, #tpu.memory_space<hbm>>
    %dma_wait3A_74 = tpu.memref_squeeze %dma_wait3A_73 : memref<1x50x128xf32, #tpu.memory_space<hbm>> -> memref<50x128xf32, #tpu.memory_space<hbm>>
    tpu.wait_dma2 semaphore(%arg30 : memref<!tpu.dma_semaphore, #tpu.memory_space<semaphore_mem>>) src(%arg14 : memref<50x128xf32, #tpu.memory_space<vmem>>) dst(%dma_wait3A_74 : memref<50x128xf32, #tpu.memory_space<hbm>>)
    return
  }
}

module attributes {stable_mosaic.version = 14 : i64} {
  func.func @_comb_body(%arg0: memref<64x64xf32, #tpu.memory_space<vmem>>, %arg1: memref<64x64xf32, #tpu.memory_space<vmem>>, %arg2: memref<4096x128xf32, #tpu.memory_space<vmem>>) attributes {dimension_semantics = [], scalar_prefetch = 0 : i64, scratch_operands = 0 : i64, tpu.core_type = #tpu.core_type<tc>} {
    %iota3A = tpu.iota {dimensions = array<i32: 0>} : vector<4096x64xi32>
    %iota3A_0 = tpu.iota {dimensions = array<i32: 1>} : vector<4096x64xi32>
    %jit3A = arith.constant 64 : i32
    %div3A = vector.broadcast %jit3A : i32 to vector<4096x64xi32>
    %div3A_1 = arith.divsi %iota3A, %div3A : vector<4096x64xi32>
    %sign3A = arith.constant 0 : i32
    %sign3A_2 = vector.broadcast %sign3A : i32 to vector<4096x64xi32>
    %sign3A_3 = arith.cmpi sgt, %iota3A, %sign3A_2 : vector<4096x64xi32>
    %sign3A_4 = arith.extui %sign3A_3 : vector<4096x64xi1> to vector<4096x64xi32>
    %sign3A_5 = arith.constant 0 : i32
    %sign3A_6 = vector.broadcast %sign3A_5 : i32 to vector<4096x64xi32>
    %sign3A_7 = arith.cmpi slt, %iota3A, %sign3A_6 : vector<4096x64xi32>
    %sign3A_8 = arith.extui %sign3A_7 : vector<4096x64xi1> to vector<4096x64xi32>
    %sign3A_9 = arith.subi %sign3A_4, %sign3A_8 : vector<4096x64xi32>
    %sign3A_10 = arith.constant 0 : i32
    %sign3A_11 = arith.cmpi sgt, %jit3A, %sign3A_10 : i32
    %sign3A_12 = arith.extui %sign3A_11 : i1 to i32
    %sign3A_13 = arith.constant 0 : i32
    %sign3A_14 = arith.cmpi slt, %jit3A, %sign3A_13 : i32
    %sign3A_15 = arith.extui %sign3A_14 : i1 to i32
    %sign3A_16 = arith.subi %sign3A_12, %sign3A_15 : i32
    %ne3A = vector.broadcast %sign3A_16 : i32 to vector<4096x64xi32>
    %ne3A_17 = arith.cmpi ne, %sign3A_9, %ne3A : vector<4096x64xi32>
    %rem3A = vector.broadcast %jit3A : i32 to vector<4096x64xi32>
    %rem3A_18 = arith.remsi %iota3A, %rem3A : vector<4096x64xi32>
    %ne3A_19 = arith.constant 0 : i32
    %ne3A_20 = vector.broadcast %ne3A_19 : i32 to vector<4096x64xi32>
    %ne3A_21 = arith.cmpi ne, %rem3A_18, %ne3A_20 : vector<4096x64xi32>
    %and3A = arith.andi %ne3A_17, %ne3A_21 : vector<4096x64xi1>
    %sub3A = arith.constant 1 : i32
    %sub3A_22 = vector.broadcast %sub3A : i32 to vector<4096x64xi32>
    %sub3A_23 = arith.subi %div3A_1, %sub3A_22 : vector<4096x64xi32>
    %select_n3A = arith.select %and3A, %sub3A_23, %div3A_1 : vector<4096x64xi1>, vector<4096x64xi32>
    %eq3A = arith.cmpi eq, %select_n3A, %iota3A_0 : vector<4096x64xi32>
    %convert_element_type3A = arith.extui %eq3A : vector<4096x64xi1> to vector<4096x64xi32>
    %convert_element_type3A_24 = arith.sitofp %convert_element_type3A : vector<4096x64xi32> to vector<4096x64xf32>
    %jit3A_25 = arith.constant 64 : i32
    %eq3A_26 = arith.constant 0 : i32
    %eq3A_27 = arith.cmpi eq, %jit3A_25, %eq3A_26 : i32
    %jit3A_28 = arith.constant 1 : i32
    %select_n3A_29 = arith.select %eq3A_27, %jit3A_28, %jit3A_25 : i32
    %rem3A_30 = vector.broadcast %select_n3A_29 : i32 to vector<4096x64xi32>
    %rem3A_31 = arith.remsi %iota3A, %rem3A_30 : vector<4096x64xi32>
    %ne3A_32 = arith.constant 0 : i32
    %ne3A_33 = vector.broadcast %ne3A_32 : i32 to vector<4096x64xi32>
    %ne3A_34 = arith.cmpi ne, %rem3A_31, %ne3A_33 : vector<4096x64xi32>
    %lt3A = arith.constant 0 : i32
    %lt3A_35 = vector.broadcast %lt3A : i32 to vector<4096x64xi32>
    %lt3A_36 = arith.cmpi slt, %rem3A_31, %lt3A_35 : vector<4096x64xi32>
    %lt3A_37 = arith.constant 0 : i32
    %lt3A_38 = arith.cmpi slt, %select_n3A_29, %lt3A_37 : i32
    %ne3A_39 = vector.broadcast %lt3A_38 : i1 to vector<4096x64xi1>
    %ne3A_40 = vector.broadcast %ne3A_39 : vector<4096x64xi1> to vector<4096x64xi1>
    %ne3A_41 = arith.xori %lt3A_36, %ne3A_40 : vector<4096x64xi1>
    %and3A_42 = arith.andi %ne3A_41, %ne3A_34 : vector<4096x64xi1>
    %add3A = vector.broadcast %select_n3A_29 : i32 to vector<4096x64xi32>
    %add3A_43 = arith.addi %rem3A_31, %add3A : vector<4096x64xi32>
    %select_n3A_44 = arith.select %and3A_42, %add3A_43, %rem3A_31 : vector<4096x64xi1>, vector<4096x64xi32>
    %eq3A_45 = arith.cmpi eq, %select_n3A_44, %iota3A_0 : vector<4096x64xi32>
    %convert_element_type3A_46 = arith.extui %eq3A_45 : vector<4096x64xi1> to vector<4096x64xi32>
    %convert_element_type3A_47 = arith.sitofp %convert_element_type3A_46 : vector<4096x64xi32> to vector<4096x64xf32>
    %get3A = arith.constant 0 : index
    %get3A_48 = arith.constant 0 : index
    %get3A_49 = vector.load %arg0[%get3A, %get3A_48] : memref<64x64xf32, #tpu.memory_space<vmem>>, vector<64x64xf32>
    %dot_general3A = arith.constant dense<0.000000e+00> : vector<4096x64xf32>
    %dot_general3A_50 = tpu.matmul %convert_element_type3A_24, %get3A_49, %dot_general3A {dimension_numbers = #tpu.dot_dimension_numbers<[1], [0], [0], [1], [0, 0, 1, 1], [], []>, transpose_lhs_hint = false} : vector<4096x64xf32>, vector<64x64xf32>, vector<4096x64xf32> -> vector<4096x64xf32>
    %swap3A = arith.constant 0 : index
    %swap3A_51 = arith.constant 0 : index
    %swap3A_52 = vector.load %arg2[%swap3A, %swap3A_51] : memref<4096x128xf32, #tpu.memory_space<vmem>>, vector<4096x64xf32>
    tpu.vector_store %arg2[%swap3A, %swap3A_51], %dot_general3A_50 {strides = array<i32>} : memref<4096x128xf32, #tpu.memory_space<vmem>>, vector<4096x64xf32>,
    %get3A_53 = arith.constant 0 : index
    %get3A_54 = arith.constant 0 : index
    %get3A_55 = vector.load %arg1[%get3A_53, %get3A_54] : memref<64x64xf32, #tpu.memory_space<vmem>>, vector<64x64xf32>
    %dot_general3A_56 = arith.constant dense<0.000000e+00> : vector<4096x64xf32>
    %dot_general3A_57 = tpu.matmul %convert_element_type3A_47, %get3A_55, %dot_general3A_56 {dimension_numbers = #tpu.dot_dimension_numbers<[1], [0], [0], [1], [0, 0, 1, 1], [], []>, transpose_lhs_hint = false} : vector<4096x64xf32>, vector<64x64xf32>, vector<4096x64xf32> -> vector<4096x64xf32>
    %swap3A_58 = arith.constant 0 : index
    %swap3A_59 = arith.constant 64 : index
    %swap3A_60 = vector.load %arg2[%swap3A_58, %swap3A_59] : memref<4096x128xf32, #tpu.memory_space<vmem>>, vector<4096x64xf32>
    tpu.vector_store %arg2[%swap3A_58, %swap3A_59], %dot_general3A_57 {strides = array<i32>} : memref<4096x128xf32, #tpu.memory_space<vmem>>, vector<4096x64xf32>,
    return
  }
}

</mosaic_0001>

<sc_bundles>
// kernel: kernel.4.cloned.1.call-start
scs
__scs_entry_jumppad:
0x0: {  	(pc) =	sbr.rel $0x88, $3  }
0x1: {  	(tag) =	ssettag $0x0;
	lr =	simm.s32 $0x1  }
0x2: {  	[smem:$0x3F9E] =	sst lr;
	_ =	strace $0xD0000000  }
0x3: {  	_ = 	snop  }
0x4: {  	_ = 	snop  }
0x5: {  	_ = 	snop  }
0x6: {  	_ = 	snop  }
0x7: {  	_ = 	snop  }
__scs_overlays_trampoline_lowered:
0x8: {  	[smem:$0x3FAD] =	sst s0  }
0x9: {  	[smem:$0x3FAE] =	sst s1  }
0xa: {  	[smem:$0x3FAF] =	sst s2  }
0xb: {  	[smem:$0x3FB0] =	sst s3  }
0xc: {  	[smem:$0x3FB1] =	sst s4  }
0xd: {  	[smem:$0x3FB2] =	sst s5  }
0xe: {  	[smem:$0x3FB3] =	sst s6  }
0xf: {  	[smem:$0x3FB4] =	sst s7  }
0x10: {  	[smem:$0x3FB5] =	sst s8  }
0x11: {  	[smem:$0x3FB6] =	sst s9;
	s0 =	simm.s32 @!p0 $0x0  }
0x12: {  	s1 =	sld [smem:$0x3F9C];
	s0 =	simm.s32 @p0 $0x1  }
0x13: {  	[smem:$0x3FB7] =	sst s0;
	s0 =	simm.s32 @!p1 $0x0  }
0x14: {  	s2 =	sld [smem:$0x3F9B];
	s0 =	simm.s32 @p1 $0x1  }
0x15: {  	[smem:$0x3FB8] =	sst s0;
	s0 =	simm.s32 @!p2 $0x0  }
0x16: {  	s3 =	sld [smem:$0x3FDB];
	s0 =	simm.s32 @p2 $0x1  }
0x17: {  	s4 =	simm.s32 $0x1BF5;
	[smem:$0x3FBA] =	sst s0  }
0x18: {  	s0 =	sld [smem:$0x3F9D];
	_ =	swait.ge [sflag:s4], $0x0  }
0x19: {  	s7 =	sld [smem:$0x3F9E]  }
0x1a: {  	s8 =	sadd.s32 $0xFFFFE003, lr  }
0x1b: {  	s9 =	sadd.s32 $0xFFFFFEF7, lr;
	s5 =	simm.s32 $0xFFFFFFFF;
	p2 =	slt.u32 s8, $0xFFFFF086  }
0x1c: {  	p1 =	slt.u32 s9, $0xF7A;
	s5 =	simm.s32 @!p2 $0x0  }
0x1d: {  	s5 =	simm.s32 @p1 $0x1;
	p0 =	seq.s32 s7, s2  }
0x1e: {  	s7 =	smul.u32 @!p0 $0xF7A, s2;
	p2 =	seq.s32 @!p0 s5, $0x0  }
0x1f: {  	s9 =	smul.u32 $0xF7A, s1;
	s8 =	simm.s32 @!p0 $0x1BF5;
	p2 =	por !p2, p0  }
0x20: {  	[sflag:s8] =	ssyncset.s32 @!p0 $0xFFFFF086;
	s6 =	sadd.s32 @!p0 s3, s7;
	s7 =	simm.s32 @!p0 $0x108  }
0x21: {  	s3 =	sadd.s32 s3, s9;
	s6 =	sadd.s32 @!p0 $0x88, s6;
	s7 =	simm.s32 @p2 $0x1082  }
0x22: {  	[simem:s7], [sflag:s8] =	dma.local @!p0 [hbm:s6], $0xF7A  }
0x23: {  	s9 =	sor.u32 $0xD0000000, s2;
	s6 =	simm.s32 $0x108;
	_ =	swait.ge @!p0 [sflag:s8], $0x0  }
0x24: {  	s3 =	sadd.s32 $0x88, s3;
	s6 =	simm.s32 @!p1 $0x1082;
	[sflag:s4] =	ssyncset.s32 $0xFFFFF086  }
0x25: {  	[simem:s6], [sflag:s4] =	dma.local [hbm:s3], $0xF7A  }
0x26: {  	[smem:$0x3F9E] =	sst s1;
	(tag) =	ssettag s2;
	_ =	strace s9  }
0x27: {  	s1 =	sld [smem:$0x3FAE]  }
0x28: {  	s2 =	sld [smem:$0x3FAF]  }
0x29: {  	s4 =	sld [smem:$0x3FB1]  }
0x2a: {  	p0 =	seq.s32 s5, $0x0;
	s5 =	sld [smem:$0x3FB2]  }
0x2b: {  	s6 =	sld [smem:$0x3FB3]  }
0x2c: {  	s7 =	sld [smem:$0x3FB4]  }
0x2d: {  	s3 =	simm.s32 $0x108;
	s8 =	sld [smem:$0x3FB5]  }
0x2e: {  	s3 =	simm.s32 @!p0 $0x1082;
	s9 =	sld [smem:$0x3FB6]  }
0x2f: {  	lr =	sadd.s32 s0, s3;
	s0 =	sld [smem:$0x3FAD]  }
0x30: {  	s3 =	sld [smem:$0x3FB0]  }
0x31: {  	[smem:$0x3FB9] =	sst s10  }
0x32: {  	s10 =	sld [smem:$0x3FB7];
	_ =	sdelay $0x3  }
0x33: {  	p0 =	seq.s32 s10, $0x1;
	s10 =	sld [smem:$0x3FB9];
	_ =	sdelay $0x3  }
0x34: {  	[smem:$0x3FB9] =	sst s10  }
0x35: {  	s10 =	sld [smem:$0x3FB8];
	_ =	sdelay $0x3  }
0x36: {  	p1 =	seq.s32 s10, $0x1;
	s10 =	sld [smem:$0x3FB9];
	_ =	sdelay $0x3  }
0x37: {  	[smem:$0x3FB9] =	sst s10  }
0x38: {  	s10 =	sld [smem:$0x3FBA]  }
0x39: {  	_ = 	snop;
	(pc) =	sbr.ind lr, $3  }
0x3a: {  	_ = 	snop  }
0x3b: {  	_ = 	snop  }
0x3c: {  	p2 =	seq.s32 s10, $0x1;
	s10 =	sld [smem:$0x3FB9]  }
0x3d: {  	_ =	shalt  }
0x3e: {  	_ =	shalt  }
0x3f: {  	_ =	shalt  }
0x40: {  	_ =	shalt  }
0x41: {  	_ =	shalt  }
0x42: {  	_ =	shalt  }
0x43: {  	_ =	shalt  }
0x44: {  	_ =	shalt  }
0x45: {  	_ =	shalt  }
0x46: {  	_ =	shalt  }
0x47: {  	_ =	shalt  }
0x48: {  	_ =	shalt  }
0x49: {  	_ =	shalt  }
0x4a: {  	_ =	shalt  }
0x4b: {  	_ =	shalt  }
0x4c: {  	_ =	shalt  }
0x4d: {  	_ =	shalt  }
0x4e: {  	_ =	shalt  }
0x4f: {  	_ =	shalt  }
0x50: {  	_ =	shalt  }
0x51: {  	_ =	shalt  }
0x52: {  	_ =	shalt  }
0x53: {  	_ =	shalt  }
0x54: {  	_ =	shalt  }
0x55: {  	_ =	shalt  }
0x56: {  	_ =	shalt  }
0x57: {  	_ =	shalt  }
0x58: {  	_ =	shalt  }
0x59: {  	_ =	shalt  }
0x5a: {  	_ =	shalt  }
0x5b: {  	_ =	shalt  }
0x5c: {  	_ =	shalt  }
0x5d: {  	_ =	shalt  }
0x5e: {  	_ =	shalt  }
0x5f: {  	_ =	shalt  }
0x60: {  	_ =	shalt  }
0x61: {  	_ =	shalt  }
0x62: {  	_ =	shalt  }
0x63: {  	_ =	shalt  }
0x64: {  	_ =	shalt  }
0x65: {  	_ =	shalt  }
0x66: {  	_ =	shalt  }
0x67: {  	_ =	shalt  }
0x68: {  	_ =	shalt  }
0x69: {  	_ =	shalt  }
0x6a: {  	_ =	shalt  }
0x6b: {  	_ =	shalt  }
0x6c: {  	_ =	shalt  }
0x6d: {  	_ =	shalt  }
0x6e: {  	_ =	shalt  }
0x6f: {  	_ =	shalt  }
0x70: {  	_ =	shalt  }
0x71: {  	_ =	shalt  }
0x72: {  	_ =	shalt  }
0x73: {  	_ =	shalt  }
0x74: {  	_ =	shalt  }
0x75: {  	_ =	shalt  }
0x76: {  	_ =	shalt  }
0x77: {  	_ =	shalt  }
0x78: {  	_ =	shalt  }
0x79: {  	_ =	shalt  }
0x7a: {  	_ =	shalt  }
0x7b: {  	_ =	shalt  }
0x7c: {  	_ =	shalt  }
0x7d: {  	_ =	shalt  }
0x7e: {  	_ =	shalt  }
0x7f: {  	_ =	shalt  }
0x80: {  	_ =	shalt  }
0x81: {  	_ =	shalt  }
0x82: {  	_ =	shalt  }
0x83: {  	_ =	shalt  }
0x84: {  	_ =	shalt  }
0x85: {  	_ =	shalt  }
0x86: {  	_ =	shalt  }
0x87: {  	_ =	shalt  }
.Lfunc_end0:
.L_simem_size_0:
called_computation_lowered:
.L_overlay_start_0:
0x88: {  	s2 =	sld [smem:$0x3FD9]  }
0x89: {  	s3 =	sld [smem:$0x3FFE];
	_ =	sdelay $0x1  }
0x8a: {  	s1 =	srdreg.scid  }
0x8b: {  	s0 =	sand.u32 $0x1, s1  }
0x8c: {  	s17 =	sshll.u32 s0, $0xA;
	s2 =	sadd.s32 s3, s2  }
0x8d: {  	s2 =	sadd.s32 s2, s17  }
0x8e: {  	[smem:$0x3FC5] =	sst s2  }
0x8f: {  	_ = 	snop  }
0x90: {  	s2 =	sld [smem:$0x3FD0];
	(tm) =	ssettm $0x1  }
0x91: {  	s18 =	sld [smem:$0x3FFB];
	_ =	sdelay $0x3  }
0x92: {  	_ =	strace s18  }
0x93: {  	s3 =	sld [smem:$0x3FFC];
	_ =	sdelay $0x3  }
0x94: {  	_ =	strace s3  }
0x95: {  	s3 =	sld [smem:$0x3FFD];
	_ =	sdelay $0x3  }
0x96: {  	_ =	strace s3  }
0x97: {  	_ =	strace $0x8FFFFFFF  }
0x98: {  	s19 =	sld [smem:$0x3FDB];
	_ =	sdelay $0x1  }
0x99: {  	s4 =	simm.s32 $_scs_section_size  }
0x9a: {  	s5 =	simm.s32 $_size__tile_overlayer_lowered;
	s6 =	simm.s32 $_tile_overlayer_lowered  }
0x9b: {  	s22 =	simm.s32 $0x1BFF;
	s21 =	sshll.u32 s6, $0x1;
	s3 =	sadd.s32 s4, s19  }
0x9c: {  	s7 =	simm.s32 $0x0;
	s20 =	sshll.u32 s5, $0x1;
	s5 =	sadd.s32 s21, s3  }
0x9d: {  	[timem:s7], [sflag:s22] =	dma.local [hbm:s5], s20  }
0x9e: {  	_ =	swait.ge [sflag:s22], s20  }
0x9f: {  	s4 =	ssub.s32 $0x0, s20;
	[sflag:s22] =	ssyncset.done $0x0  }
0xa0: {  	[sflag:s22] =	ssyncadd.s32 s4;
	_ =	sdelay $0x1  }
0xa1: {  	s23 =	simm.s32 $0x1B8B  }
0xa2: {  	_ =	swait.ge [sflag:s23], $0x1  }
0xa3: {  	[sflag:s23] =	ssyncset.done $0x0  }
0xa4: {  	s25 =	simm.s32 $0x1B8E;
	s24 =	sld [smem:$0x3FFE];
	[sflag:s23] =	ssyncadd.s32 $0xFFFFFFFF  }
0xa5: {  	s26 =	simm.s32 $execute0_lowered;
	[smem:$0x3FD2] =	sst s25  }
0xa6: {  	s5 =	sshll.u32 s26, $0x1;
	_ =	strace $0x80000046;
	[dreg:$0x1] =	wrdreg $0xFFFFFFFF  }
0xa7: {  	s28 =	simm.s32 $_size_execute0_lowered;
	s3 =	sadd.s32 s3, s5;
	[dreg:$0x0] =	wrdreg $0x0  }
0xa8: {  	s5 =	sshll.u32 s28, $0x1;
	[dreg:$0x2] =	wrdreg s3  }
0xa9: {  	[dreg:$0x3] =	wrdreg s5  }
0xaa: {  	[dreg:$0x4] =	wrdreg $0xC0  }
0xab: {  	_ =	task [dreg:s7], $0x5FFFF  }
0xac: {  	[dreg:$0x1] =	wrdreg $0xFFFFFFFF  }
0xad: {  	[dreg:$0x0] =	wrdreg $0x60  }
0xae: {  	[dreg:$0x2] =	wrdreg s2  }
0xaf: {  	[dreg:$0x3] =	wrdreg s24  }
0xb0: {  	[dreg:$0x4] =	wrdreg $0x40000  }
0xb1: {  	[dreg:$0x5] =	wrdreg $0x9  }
0xb2: {  	_ =	task.clear_ibuf [dreg:s7], $0x6FFFF;
	_ =	strace $0x90000046  }
0xb3: {  	s29 =	simm.s32 $0x9;
	_ =	strace $0x80000048  }
0xb4: {  	_ =	swait.ge [sflag:s29], $0x1  }
0xb5: {  	[sflag:s29] =	ssyncadd.s32 $0xFFFFFFFF  }
0xb6: {  	_ =	strace $0x90000048  }
0xb7: {  	_ =	sfence  }
0xb8: {  	s30 =	sld [smem:$0x0];
	_ =	sdelay $0x2  }
0xb9: {  	s31 =	sshll.u32 s1, $0xD;
	s1 =	sshrl.u32 s1, $0x2  }
0xba: {  	s3 =	sand.u32 $0x4000, s31;
	s1 =	sadd.s32 s1, s30  }
0xbb: {  	s0 =	sor.u32 s3, s0;
	s1 =	sshll.u32 s1, $0x11  }
0xbc: {  	s0 =	sor.u32 s1, s0  }
0xbd: {  	s0 =	sadd.s32 $0x8F2B, s0  }
0xbe: {  	[sflag:s0] =	ssyncadd.remote.s32 $0x1  }
0xbf: {  	_ =	sfence.sel $0xFFFF  }
0xc0: {  	[dreg:$0x0] =	wrdreg $0xFFFFFFFF;
	(pc) =	sbr.abs _section_cstart, $3  }
0xc1: {  	[dreg:$0x1] =	wrdreg $0xFFFFFFFF  }
0xc2: {  	_ =	task.clear_ibuf [dreg:s7], $0x2FFFF;
	_ =	strace $0x9FFFFFFF  }
0xc3: {  	(tm) =	ssettm $0x7FFFFFFF  }
tec
execute0_lowered:
.L_overlay_start_1:
0x0: {  	(tag) =	ssettag $0x1  }
0x1: {  	s0 =	rddreg [dreg:$0x0]  }
0x2: {  	s2 =	rddreg [dreg:$0x1]  }
0x3: {  	s1 =	rddreg [dreg:$0x2]  }
0x4: {  	s4 =	srdreg.scid;
	s3 =	simm.s32 $0x0;
	s10 =	stileid.u32  }
0x5: {  	s22 =	simm.s32 $0x32;
	s23 =	simm.s32 $0xC000;
	s24 =	simm.s32 $0xDC00  }
0x6: {  	s25 =	simm.s32 $0xF800;
	s26 =	simm.s32 $0x11400;
	s28 =	simm.s32 $0x13000  }
0x7: {  	s29 =	simm.s32 $0x14C00;
	s30 =	simm.s32 $0x16800;
	[smem:$0x7FF] =	sst s3  }
0x8: {  	s31 =	simm.s32 $0x0;
	_ =	strace $0x80000047;
	[dreg:$0x4] =	wrdreg s22  }
0x9: {  	s6 =	sand.u32 $0x1, s4;
	s12 =	sshll.u32 s10, $0xC;
	[dreg:$0x5] =	wrdreg s23  }
0xa: {  	s4 =	sadd.s32 $0x10C00, s2;
	s14 =	sshll.u32 s10, $0x8;
	[dreg:$0x6] =	wrdreg s24  }
0xb: {  	s9 =	sshll.u32 s10, $0xF;
	s17 =	smul.u32 $0x38000, s10;
	[dreg:$0x7] =	wrdreg s25  }
0xc: {  	s18 =	sshll.u32 s10, $0x6;
	s5 =	ssub.s32 $0x2, s6;
	[dreg:$0x8] =	wrdreg s26  }
0xd: {  	s8 =	sadd.s32 s12, s2;
	s15 =	sshll.u32 s6, $0x7;
	[dreg:$0x9] =	wrdreg s28  }
0xe: {  	s16 =	sadd.s32 s9, s1;
	s6 =	smul.u32 $0x1C000, s6;
	[dreg:$0xa] =	wrdreg s29  }
0xf: {  	s12 =	simm.s32 $0x11;
	[dreg:$0xb] =	wrdreg s30;
	s7 =	sshrl.u32 s5, $0x1  }
0x10: {  	s8 =	sadd.s32 $0xC00, s8;
	s9 =	sadd.s32 s17, s4;
	s21 =	sshrl.u32 s16, $0x3  }
0x11: {  	s16 =	simm.s32 $0x3;
	s17 =	simm.s32 $0x4;
	s13 =	ssub.s32 s5, s7  }
0x12: {  	s5 =	sor.u32 s15, s14;
	[dreg:$0xc] =	wrdreg s8;
	s8 =	sor.u32 $0x1C11, s18  }
0x13: {  	s10 =	sadd.s32 s6, s9;
	[dreg:$0x10] =	wrdreg s21;
	s14 =	simm.s32 $0x1  }
0x14: {  	s15 =	simm.s32 $0x2;
	s18 =	simm.s32 $0x5;
	s21 =	simm.s32 $0x8  }
0x15: {  	[dreg:$0xd] =	wrdreg s8;
	s19 =	sshll.u32 s5, $0x4;
	s20 =	smax.u32 s13, $0x1  }
0x16: {  	s13 =	simm.s32 $0x18400;
	s0 =	sadd.s32 s0, s19;
	[dreg:$0xf] =	wrdreg s20  }
0x17: {  	s19 =	simm.s32 $0x6;
	s20 =	simm.s32 $0x7;
	[dreg:$0xe] =	wrdreg s0  }
.LBB2_1:
0x18: {  	s0 =	rddreg [dreg:$0xc]  }
0x19: {  	s2 =	rddreg [dreg:$0xd]  }
0x1a: {  	s6 =	rddreg [dreg:$0x10]  }
0x1b: {  	[spmem:s6], [sflag:s2] =	dma.local [hbm:s0], $0x1000  }
0x1c: {  	_ =	swait.ge [sflag:s12], $0x1000  }
0x1d: {  	[sflag:s12] =	ssyncset.done $0x0  }
0x1e: {  	s25 =	rddreg [dreg:$0xe];
	[sflag:s12] =	ssyncadd.s32 $0xFFFFF000  }
0x1f: {  	[tilespmem:s3], [sflag:$0x11] =	stream.linear.gather [hbm4b:s25+s3], $0x4000, $0x38;
	[tilespmem:$0x1A000] =	vst v63  }
0x20: {  	_ =	swait.ge [sflag:s12], $0x4000  }
0x21: {  	[sflag:s12] =	ssyncset.done $0x0  }
0x22: {  	p0 =	por $0x0, $0x0;
	[sflag:s12] =	ssyncadd.s32 $0xFFFFC000  }
0x23: {  	s0 =	simm.s32 @p0 $0x9;
	[bflag:$0x0] =	sbarrier.arrive $0xFFFF  }
0x24: {  	_ =	swait.ge @p0 [sflag:s0], $0x1900  }
0x25: {  	s2 =	simm.s32 @p0 $0x32;
	[sflag:s0] =	ssyncset.done @p0 $0x0  }
0x26: {  	s6 =	simm.s32 @p0 $0xC000;
	[sflag:s0] =	ssyncadd.s32 @p0 $0xFFFFE700;
	s0 =	simm.s32 @p0 $0xA  }
0x27: {  	[tilespmem:s6], [sflag:$0x1] =	stream.indirect.gather @p0 [spmem:s1], $0x80, s3, s2, $0xb8;
	[tilespmem:$0x1A000] =	vst v63  }
0x28: {  	_ =	swait.ge @p0 [sflag:s0], $0x1900  }
0x29: {  	s7 =	simm.s32 @p0 $0xDC00;
	[sflag:s0] =	ssyncset.done @p0 $0x0  }
0x2a: {  	s6 =	simm.s32 @p0 $0x80;
	[sflag:s0] =	ssyncadd.s32 @p0 $0xFFFFE700;
	s0 =	simm.s32 @p0 $0xB  }
0x2b: {  	[tilespmem:s7], [sflag:$0x2] =	stream.indirect.gather @p0 [spmem:s1], $0x80, s6, s2, $0xb8;
	[tilespmem:$0x1A000] =	vst v63  }
0x2c: {  	_ =	swait.ge @p0 [sflag:s0], $0x1900  }
0x2d: {  	s6 =	simm.s32 @p0 $0x100;
	[sflag:s0] =	ssyncset.done @p0 $0x0  }
0x2e: {  	s7 =	simm.s32 @p0 $0xF800;
	[sflag:s0] =	ssyncadd.s32 @p0 $0xFFFFE700;
	s0 =	simm.s32 @p0 $0xC  }
0x2f: {  	[tilespmem:s7], [sflag:$0x3] =	stream.indirect.gather @p0 [spmem:s1], $0x80, s6, s2, $0xb8;
	[tilespmem:$0x1A000] =	vst v63  }
0x30: {  	_ =	swait.ge @p0 [sflag:s0], $0x1900  }
0x31: {  	s6 =	simm.s32 @p0 $0x180;
	[sflag:s0] =	ssyncset.done @p0 $0x0  }
0x32: {  	s7 =	simm.s32 @p0 $0x11400;
	[sflag:s0] =	ssyncadd.s32 @p0 $0xFFFFE700;
	s0 =	simm.s32 @p0 $0xD  }
0x33: {  	[tilespmem:s7], [sflag:$0x4] =	stream.indirect.gather @p0 [spmem:s1], $0x80, s6, s2, $0xb8;
	[tilespmem:$0x1A000] =	vst v63  }
0x34: {  	_ =	swait.ge @p0 [sflag:s0], $0x1900  }
0x35: {  	s6 =	simm.s32 @p0 $0x200;
	[sflag:s0] =	ssyncset.done @p0 $0x0  }
0x36: {  	s7 =	simm.s32 @p0 $0x13000;
	[sflag:s0] =	ssyncadd.s32 @p0 $0xFFFFE700;
	s0 =	simm.s32 @p0 $0xE  }
0x37: {  	[tilespmem:s7], [sflag:$0x5] =	stream.indirect.gather @p0 [spmem:s1], $0x80, s6, s2, $0xb8;
	[tilespmem:$0x1A000] =	vst v63  }
0x38: {  	_ =	swait.ge @p0 [sflag:s0], $0x1900  }
0x39: {  	s6 =	simm.s32 @p0 $0x280;
	[sflag:s0] =	ssyncset.done @p0 $0x0  }
0x3a: {  	s7 =	simm.s32 @p0 $0x14C00;
	[sflag:s0] =	ssyncadd.s32 @p0 $0xFFFFE700;
	s0 =	simm.s32 @p0 $0xF  }
0x3b: {  	[tilespmem:s7], [sflag:$0x6] =	stream.indirect.gather @p0 [spmem:s1], $0x80, s6, s2, $0xb8;
	[tilespmem:$0x1A000] =	vst v63  }
0x3c: {  	_ =	swait.ge @p0 [sflag:s0], $0x1900  }
0x3d: {  	s6 =	simm.s32 @p0 $0x300;
	[sflag:s0] =	ssyncset.done @p0 $0x0  }
0x3e: {  	s7 =	simm.s32 @p0 $0x16800;
	[sflag:s0] =	ssyncadd.s32 @p0 $0xFFFFE700;
	s0 =	simm.s32 @p0 $0x10  }
0x3f: {  	[tilespmem:s7], [sflag:$0x7] =	stream.indirect.gather @p0 [spmem:s1], $0x80, s6, s2, $0xb8;
	[tilespmem:$0x1A000] =	vst v63  }
0x40: {  	_ =	swait.ge @p0 [sflag:s0], $0x1900  }
0x41: {  	s2 =	simm.s32 @!p0 $0x32;
	[sflag:s0] =	ssyncset.done @p0 $0x0  }
0x42: {  	s6 =	simm.s32 @!p0 $0x0;
	[sflag:s0] =	ssyncadd.s32 @p0 $0xFFFFE700;
	s0 =	simm.s32 @!p0 $0xC000  }
0x43: {  	[tilespmem:s0], [sflag:$0x1] =	stream.indirect.gather @!p0 [spmem:s1], $0x80, s6, s2, $0xb8;
	[tilespmem:$0x1A000] =	vst v63  }
0x44: {  	s0 =	simm.s32 @!p0 $0x80;
	s6 =	simm.s32 @!p0 $0xDC00  }
0x45: {  	[tilespmem:s6], [sflag:$0x2] =	stream.indirect.gather @!p0 [spmem:s1], $0x80, s0, s2, $0xb8;
	[tilespmem:$0x1A000] =	vst v63  }
0x46: {  	s0 =	simm.s32 @!p0 $0x100;
	s6 =	simm.s32 @!p0 $0xF800  }
0x47: {  	[tilespmem:s6], [sflag:$0x3] =	stream.indirect.gather @!p0 [spmem:s1], $0x80, s0, s2, $0xb8;
	[tilespmem:$0x1A000] =	vst v63  }
0x48: {  	s0 =	simm.s32 @!p0 $0x180;
	s6 =	simm.s32 @!p0 $0x11400  }
0x49: {  	[tilespmem:s6], [sflag:$0x4] =	stream.indirect.gather @!p0 [spmem:s1], $0x80, s0, s2, $0xb8;
	[tilespmem:$0x1A000] =	vst v63  }
0x4a: {  	s7 =	simm.s32 @!p0 $0x13000;
	s0 =	simm.s32 $0x7;
	s6 =	simm.s32 @!p0 $0x200  }
0x4b: {  	[tilespmem:s7], [sflag:$0x5] =	stream.indirect.gather @!p0 [spmem:s1], $0x80, s6, s2, $0xb8;
	[tilespmem:$0x1A000] =	vst v63  }
0x4c: {  	s0 =	simm.s32 @!p0 $0x7;
	s6 =	simm.s32 @!p0 $0x280;
	s7 =	simm.s32 @!p0 $0x14C00  }
0x4d: {  	[tilespmem:s7], [sflag:$0x6] =	stream.indirect.gather @!p0 [spmem:s1], $0x80, s6, s2, $0xb8;
	[tilespmem:$0x1A000] =	vst v63  }
0x4e: {  	s26 =	sshll.u32 s0, $0x7;
	s6 =	simm.s32 @!p0 $0x300;
	s7 =	simm.s32 @!p0 $0x16800  }
0x4f: {  	[tilespmem:s7], [sflag:$0x7] =	stream.indirect.gather @!p0 [spmem:s1], $0x80, s6, s2, $0xb8;
	[tilespmem:$0x1A000] =	vst v63  }
0x50: {  	s8 =	rddreg [dreg:$0x4];
	s2 =	sand.u32 $0x3FFFFF80, s26  }
0x51: {  	[tilespmem:s13], [sflag:$0x8] =	stream.indirect.gather [spmem:s1], $0x80, s2, s8, $0xb8;
	[tilespmem:$0x1A000] =	vst v63  }
0x52: {  	s6 =	simm.s32 @p0 $0x1;
	_ =	swait.ge [sflag:s14], $0x1900  }
0x53: {  	s7 =	simm.s32 @p0 $0x2;
	s6 =	simm.s32 @!p0 $0x1;
	[sflag:s14] =	ssyncset.done $0x0  }
0x54: {  	s29 =	sadd.s32 s5, s6;
	s28 =	rddreg [dreg:$0x5];
	[sflag:s14] =	ssyncadd.s32 $0xFFFFE700  }
0x55: {  	[hbm4b:s10+s3] =	stream.linear.scatter [tilespmem:s28], [sflag:$0x9], $0x1900, $0x38;
	[tilespmem:$0x1A000] =	vst v63  }
0x56: {  	s7 =	simm.s32 @!p0 $0x2;
	s2 =	smul.u32 $0x380, s29;
	_ =	swait.ge [sflag:s15], $0x1900  }
0x57: {  	s7 =	sadd.s32 s5, s7;
	s6 =	simm.s32 $0x400;
	[sflag:s15] =	ssyncset.done $0x0  }
0x58: {  	s2 =	sadd.s32 s4, s2;
	s30 =	rddreg [dreg:$0x6];
	[sflag:s15] =	ssyncadd.s32 $0xFFFFE700  }
0x59: {  	[hbm4b:s2+s3] =	stream.linear.scatter [tilespmem:s30], [sflag:$0xA], $0x1900, $0x38;
	[tilespmem:$0x1A000] =	vst v63  }
0x5a: {  	s29 =	sadd.s32 s5, s0;
	s2 =	smul.u32 $0x380, s7;
	s7 =	simm.s32 @p0 $0x3  }
0x5b: {  	s0 =	simm.s32 $0xF;
	_ =	swait.ge [sflag:s16], $0x1900;
	s7 =	simm.s32 @!p0 $0x3  }
0x5c: {  	s8 =	rddreg [dreg:$0x7];
	[sflag:s16] =	ssyncset.done $0x0;
	s2 =	sadd.s32 s4, s2  }
0x5d: {  	s9 =	sadd.s32 s5, s7;
	s7 =	simm.s32 @p0 $0x4;
	[sflag:s16] =	ssyncadd.s32 $0xFFFFE700  }
0x5e: {  	[hbm4b:s2+s3] =	stream.linear.scatter [tilespmem:s8], [sflag:$0xB], $0x1900, $0x38;
	[tilespmem:$0x1A000] =	vst v63  }
0x5f: {  	s7 =	simm.s32 @!p0 $0x4;
	s2 =	smul.u32 $0x380, s9;
	_ =	swait.ge [sflag:s17], $0x1900  }
0x60: {  	s22 =	sadd.s32 s5, s7;
	s7 =	simm.s32 @p0 $0x5;
	[sflag:s17] =	ssyncset.done $0x0  }
0x61: {  	s11 =	rddreg [dreg:$0x8];
	s2 =	sadd.s32 s4, s2;
	[sflag:s17] =	ssyncadd.s32 $0xFFFFE700  }
0x62: {  	[hbm4b:s2+s3] =	stream.linear.scatter [tilespmem:s11], [sflag:$0xC], $0x1900, $0x38;
	[tilespmem:$0x1A000] =	vst v63  }
0x63: {  	s7 =	simm.s32 @!p0 $0x5;
	s2 =	smul.u32 $0x380, s22;
	_ =	swait.ge [sflag:s18], $0x1900  }
0x64: {  	s24 =	sadd.s32 s5, s7;
	s7 =	simm.s32 @p0 $0x6;
	[sflag:s18] =	ssyncset.done $0x0  }
0x65: {  	s23 =	rddreg [dreg:$0x9];
	s2 =	sadd.s32 s4, s2;
	[sflag:s18] =	ssyncadd.s32 $0xFFFFE700  }
0x66: {  	[hbm4b:s2+s3] =	stream.linear.scatter [tilespmem:s23], [sflag:$0xD], $0x1900, $0x38;
	[tilespmem:$0x1A000] =	vst v63  }
0x67: {  	s7 =	simm.s32 @!p0 $0x6;
	s2 =	smul.u32 $0x380, s24;
	_ =	swait.ge [sflag:s19], $0x1900  }
0x68: {  	s9 =	smul.u32 $0x380, s29;
	s26 =	sadd.s32 s5, s7;
	[sflag:s19] =	ssyncset.done $0x0  }
0x69: {  	s25 =	rddreg [dreg:$0xa];
	s2 =	sadd.s32 s4, s2;
	[sflag:s19] =	ssyncadd.s32 $0xFFFFE700  }
0x6a: {  	[hbm4b:s2+s3] =	stream.linear.scatter [tilespmem:s25], [sflag:$0xE], $0x1900, $0x38;
	[tilespmem:$0x1A000] =	vst v63  }
0x6b: {  	p0 =	por $0x1, $0x1;
	s2 =	smul.u32 $0x380, s26;
	_ =	swait.ge [sflag:s20], $0x1900  }
0x6c: {  	s7 =	simm.s32 $0x17;
	s28 =	rddreg [dreg:$0xb];
	[sflag:s20] =	ssyncset.done $0x0  }
0x6d: {  	s30 =	sadd.s32 s4, s2;
	s2 =	sadd.s32 $0x1C00, s10;
	[sflag:s20] =	ssyncadd.s32 $0xFFFFE700  }
0x6e: {  	[hbm4b:s30+s3] =	stream.linear.scatter [tilespmem:s28], [sflag:$0xF], $0x1900, $0x38;
	[tilespmem:$0x1A000] =	vst v63  }
.LBB2_2:
0x6f: {  	_ =	swait.ge [sflag:s21], $0x1900  }
0x70: {  	[sflag:s21] =	ssyncset.done $0x0  }
0x71: {  	s22 =	simm.s32 @p0 $0x9;
	s9 =	sadd.s32 s4, s9;
	[sflag:s21] =	ssyncadd.s32 $0xFFFFE700  }
0x72: {  	[hbm4b:s9+s3] =	stream.linear.scatter [tilespmem:s13], [sflag:$0x10], $0x1900, $0x38;
	[tilespmem:$0x1A000] =	vst v63  }
0x73: {  	s23 =	sadd.s32 @p0 $0xFFFFFFFD, s0;
	s25 =	simm.s32 @p0 $0x32;
	_ =	swait.ge @p0 [sflag:s22], $0x1900  }
0x74: {  	s26 =	simm.s32 @p0 $0xC000;
	s28 =	sadd.s32 @p0 $0xFFFFFFFE, s0;
	[sflag:s22] =	ssyncset.done @p0 $0x0  }
0x75: {  	s23 =	simm.s32 @!p0 $0x4;
	[sflag:s22] =	ssyncadd.s32 @p0 $0xFFFFE700;
	s22 =	simm.s32 @p0 $0xA  }
0x76: {  	[tilespmem:s26], [sflag:$0x1] =	stream.indirect.gather @p0 [spmem:s1], $0x80, s6, s25, $0xb8;
	[tilespmem:$0x1A000] =	vst v63  }
0x77: {  	s30 =	simm.s32 @p0 $0xB;
	s23 =	sadd.s32 s5, s23;
	_ =	swait.ge @p0 [sflag:s22], $0x1900  }
0x78: {  	s28 =	simm.s32 @!p0 $0x5;
	s9 =	smul.u32 $0x380, s23;
	[sflag:s22] =	ssyncset.done @p0 $0x0  }
0x79: {  	s23 =	sadd.s32 @p0 $0x80, s6;
	s26 =	simm.s32 @p0 $0xDC00;
	[sflag:s22] =	ssyncadd.s32 @p0 $0xFFFFE700  }
0x7a: {  	[tilespmem:s26], [sflag:$0x2] =	stream.indirect.gather @p0 [spmem:s1], $0x80, s23, s25, $0xb8;
	[tilespmem:$0x1A000] =	vst v63  }
0x7b: {  	s28 =	sadd.s32 s5, s28;
	_ =	swait.ge @p0 [sflag:s30], $0x1900  }
0x7c: {  	s22 =	smul.u32 $0x380, s28;
	s28 =	simm.s32 @p0 $0xC;
	[sflag:s30] =	ssyncset.done @p0 $0x0  }
0x7d: {  	s23 =	sadd.s32 @p0 $0x100, s6;
	s26 =	simm.s32 @p0 $0xF800;
	[sflag:s30] =	ssyncadd.s32 @p0 $0xFFFFE700  }
0x7e: {  	[tilespmem:s26], [sflag:$0x3] =	stream.indirect.gather @p0 [spmem:s1], $0x80, s23, s25, $0xb8;
	[tilespmem:$0x1A000] =	vst v63  }
0x7f: {  	s29 =	sadd.s32 @p0 $0xFFFFFFFF, s0;
	_ =	swait.ge @p0 [sflag:s28], $0x1900  }
0x80: {  	s29 =	simm.s32 @!p0 $0x6;
	s30 =	simm.s32 @p0 $0x11400;
	[sflag:s28] =	ssyncset.done @p0 $0x0  }
0x81: {  	s26 =	sadd.s32 @p0 $0x180, s6;
	[sflag:s28] =	ssyncadd.s32 @p0 $0xFFFFE700;
	s28 =	simm.s32 @p0 $0xD  }
0x82: {  	[tilespmem:s30], [sflag:$0x4] =	stream.indirect.gather @p0 [spmem:s1], $0x80, s26, s25, $0xb8;
	[tilespmem:$0x1A000] =	vst v63  }
0x83: {  	s29 =	sadd.s32 s5, s29;
	_ =	swait.ge @p0 [sflag:s28], $0x1900  }
0x84: {  	s23 =	smul.u32 $0x380, s29;
	s29 =	simm.s32 @p0 $0x13000;
	[sflag:s28] =	ssyncset.done @p0 $0x0  }
0x85: {  	s26 =	sadd.s32 @p0 $0x200, s6;
	[sflag:s28] =	ssyncadd.s32 @p0 $0xFFFFE700;
	s28 =	simm.s32 @p0 $0xE  }
0x86: {  	[tilespmem:s29], [sflag:$0x5] =	stream.indirect.gather @p0 [spmem:s1], $0x80, s26, s25, $0xb8;
	[tilespmem:$0x1A000] =	vst v63  }
0x87: {  	_ =	swait.ge @p0 [sflag:s28], $0x1900  }
0x88: {  	s26 =	sadd.s32 @p0 $0x280, s6;
	[sflag:s28] =	ssyncset.done @p0 $0x0  }
0x89: {  	s29 =	simm.s32 @p0 $0x14C00;
	[sflag:s28] =	ssyncadd.s32 @p0 $0xFFFFE700;
	s28 =	simm.s32 @p0 $0xF  }
0x8a: {  	[tilespmem:s29], [sflag:$0x6] =	stream.indirect.gather @p0 [spmem:s1], $0x80, s26, s25, $0xb8;
	[tilespmem:$0x1A000] =	vst v63  }
0x8b: {  	_ =	swait.ge @p0 [sflag:s28], $0x1900  }
0x8c: {  	s26 =	sadd.s32 @p0 $0x300, s6;
	[sflag:s28] =	ssyncset.done @p0 $0x0  }
0x8d: {  	s29 =	simm.s32 @p0 $0x16800;
	[sflag:s28] =	ssyncadd.s32 @p0 $0xFFFFE700;
	s28 =	simm.s32 @p0 $0x10  }
0x8e: {  	[tilespmem:s29], [sflag:$0x7] =	stream.indirect.gather @p0 [spmem:s1], $0x80, s26, s25, $0xb8;
	[tilespmem:$0x1A000] =	vst v63  }
0x8f: {  	_ =	swait.ge @p0 [sflag:s28], $0x1900  }
0x90: {  	s25 =	simm.s32 @!p0 $0x32;
	[sflag:s28] =	ssyncset.done @p0 $0x0  }
0x91: {  	s26 =	simm.s32 @!p0 $0x0;
	[sflag:s28] =	ssyncadd.s32 @p0 $0xFFFFE700;
	s28 =	simm.s32 @!p0 $0xC000  }
0x92: {  	[tilespmem:s28], [sflag:$0x1] =	stream.indirect.gather @!p0 [spmem:s1], $0x80, s26, s25, $0xb8;
	[tilespmem:$0x1A000] =	vst v63  }
0x93: {  	s26 =	simm.s32 @!p0 $0x80;
	s28 =	simm.s32 @!p0 $0xDC00  }
0x94: {  	[tilespmem:s28], [sflag:$0x2] =	stream.indirect.gather @!p0 [spmem:s1], $0x80, s26, s25, $0xb8;
	[tilespmem:$0x1A000] =	vst v63  }
0x95: {  	s26 =	simm.s32 @!p0 $0x100;
	s28 =	simm.s32 @!p0 $0xF800  }
0x96: {  	[tilespmem:s28], [sflag:$0x3] =	stream.indirect.gather @!p0 [spmem:s1], $0x80, s26, s25, $0xb8;
	[tilespmem:$0x1A000] =	vst v63  }
0x97: {  	s26 =	simm.s32 @!p0 $0x180;
	s28 =	simm.s32 @!p0 $0x11400  }
0x98: {  	[tilespmem:s28], [sflag:$0x4] =	stream.indirect.gather @!p0 [spmem:s1], $0x80, s26, s25, $0xb8;
	[tilespmem:$0x1A000] =	vst v63  }
0x99: {  	s8 =	smov.u32 s0;
	s26 =	simm.s32 @!p0 $0x200;
	s28 =	simm.s32 @!p0 $0x13000  }
0x9a: {  	[tilespmem:s28], [sflag:$0x5] =	stream.indirect.gather @!p0 [spmem:s1], $0x80, s26, s25, $0xb8;
	[tilespmem:$0x1A000] =	vst v63  }
0x9b: {  	s8 =	simm.s32 @!p0 $0x7;
	s26 =	simm.s32 @!p0 $0x280;
	s28 =	simm.s32 @!p0 $0x14C00  }
0x9c: {  	[tilespmem:s28], [sflag:$0x6] =	stream.indirect.gather @!p0 [spmem:s1], $0x80, s26, s25, $0xb8;
	[tilespmem:$0x1A000] =	vst v63  }
0x9d: {  	s24 =	sshll.u32 s8, $0x7;
	s26 =	simm.s32 @!p0 $0x300;
	s28 =	simm.s32 @!p0 $0x16800  }
0x9e: {  	[tilespmem:s28], [sflag:$0x7] =	stream.indirect.gather @!p0 [spmem:s1], $0x80, s26, s25, $0xb8;
	[tilespmem:$0x1A000] =	vst v63  }
0x9f: {  	s24 =	sand.u32 $0x3FFFFF80, s24;
	s30 =	rddreg [dreg:$0x4]  }
0xa0: {  	[tilespmem:s13], [sflag:$0x8] =	stream.indirect.gather [spmem:s1], $0x80, s24, s30, $0xb8;
	[tilespmem:$0x1A000] =	vst v63  }
0xa1: {  	s24 =	sadd.s32 @p0 $0xFFFFFFFA, s0;
	_ =	swait.ge [sflag:s14], $0x1900  }
0xa2: {  	s25 =	sadd.s32 @p0 $0xFFFFFFFB, s0;
	s24 =	simm.s32 @!p0 $0x1;
	[sflag:s14] =	ssyncset.done $0x0  }
0xa3: {  	s29 =	rddreg [dreg:$0x5];
	s24 =	sadd.s32 s5, s24;
	[sflag:s14] =	ssyncadd.s32 $0xFFFFE700  }
0xa4: {  	[hbm4b:s2+s3] =	stream.linear.scatter [tilespmem:s29], [sflag:$0x9], $0x1900, $0x38;
	[tilespmem:$0x1A000] =	vst v63  }
0xa5: {  	s25 =	simm.s32 @!p0 $0x2;
	s24 =	smul.u32 $0x380, s24;
	_ =	swait.ge [sflag:s15], $0x1900  }
0xa6: {  	s26 =	sadd.s32 @p0 $0xFFFFFFFC, s0;
	s25 =	sadd.s32 s5, s25;
	[sflag:s15] =	ssyncset.done $0x0  }
0xa7: {  	s24 =	sadd.s32 s4, s24;
	s30 =	rddreg [dreg:$0x6];
	[sflag:s15] =	ssyncadd.s32 $0xFFFFE700  }
0xa8: {  	[hbm4b:s24+s3] =	stream.linear.scatter [tilespmem:s30], [sflag:$0xA], $0x1900, $0x38;
	[tilespmem:$0x1A000] =	vst v63  }
0xa9: {  	s26 =	simm.s32 @!p0 $0x3;
	s25 =	smul.u32 $0x380, s25;
	_ =	swait.ge [sflag:s16], $0x1900  }
0xaa: {  	s11 =	smov.u32 s7;
	s29 =	sadd.s32 s5, s26;
	[sflag:s16] =	ssyncset.done $0x0  }
0xab: {  	s24 =	sadd.s32 s4, s25;
	s28 =	rddreg [dreg:$0x7];
	[sflag:s16] =	ssyncadd.s32 $0xFFFFE700  }
0xac: {  	[hbm4b:s24+s3] =	stream.linear.scatter [tilespmem:s28], [sflag:$0xB], $0x1900, $0x38;
	[tilespmem:$0x1A000] =	vst v63  }
0xad: {  	s0 =	smov.u32 s11;
	s11 =	smul.u32 $0x380, s29;
	_ =	swait.ge [sflag:s17], $0x1900  }
0xae: {  	[sflag:s17] =	ssyncset.done $0x0  }
0xaf: {  	s11 =	sadd.s32 s4, s11;
	s30 =	rddreg [dreg:$0x8];
	[sflag:s17] =	ssyncadd.s32 $0xFFFFE700  }
0xb0: {  	[hbm4b:s11+s3] =	stream.linear.scatter [tilespmem:s30], [sflag:$0xC], $0x1900, $0x38;
	[tilespmem:$0x1A000] =	vst v63  }
0xb1: {  	_ =	swait.ge [sflag:s18], $0x1900  }
0xb2: {  	[sflag:s18] =	ssyncset.done $0x0  }
0xb3: {  	s9 =	sadd.s32 s4, s9;
	s25 =	rddreg [dreg:$0x9];
	[sflag:s18] =	ssyncadd.s32 $0xFFFFE700  }
0xb4: {  	[hbm4b:s9+s3] =	stream.linear.scatter [tilespmem:s25], [sflag:$0xD], $0x1900, $0x38;
	[tilespmem:$0x1A000] =	vst v63  }
0xb5: {  	s7 =	sadd.s32 $0x8, s7;
	_ =	swait.ge [sflag:s19], $0x1900  }
0xb6: {  	p1 =	sne.s32 s7, $0x87;
	[sflag:s19] =	ssyncset.done $0x0  }
0xb7: {  	s28 =	sadd.s32 s4, s22;
	s26 =	rddreg [dreg:$0xa];
	[sflag:s19] =	ssyncadd.s32 $0xFFFFE700  }
0xb8: {  	[hbm4b:s28+s3] =	stream.linear.scatter [tilespmem:s26], [sflag:$0xE], $0x1900, $0x38;
	[tilespmem:$0x1A000] =	vst v63  }
.Ltmp0:
0xb9: {  	s8 =	sadd.s32 s5, s8;
	(pc) =	sbr.rel @p1 .LBB2_2-.Ltmp0, $4  }
0xba: {  	s6 =	sadd.s32 $0x400, s6;
	p0 =	sne.s32 s0, $0x7;
	_ =	swait.ge [sflag:s20], $0x1900  }
0xbb: {  	s2 =	sadd.s32 $0x1C00, s2;
	s30 =	sadd.s32 s4, s23;
	[sflag:s20] =	ssyncset.done $0x0  }
0xbc: {  	s9 =	smul.u32 $0x380, s8;
	s29 =	rddreg [dreg:$0xb];
	[sflag:s20] =	ssyncadd.s32 $0xFFFFE700  }
0xbd: {  	[hbm4b:s30+s3] =	stream.linear.scatter [tilespmem:s29], [sflag:$0xF], $0x1900, $0x38;
	[tilespmem:$0x1A000] =	vst v63  }
0xbe: {  	_ =	swait.ge [sflag:s21], $0x1900  }
0xbf: {  	[sflag:s21] =	ssyncset.done $0x0  }
0xc0: {  	s7 =	simm.s32 @p0 $0x9;
	s8 =	sadd.s32 s4, s9;
	[sflag:s21] =	ssyncadd.s32 $0xFFFFE700  }
0xc1: {  	[hbm4b:s8+s3] =	stream.linear.scatter [tilespmem:s13], [sflag:$0x10], $0x1900, $0x38;
	[tilespmem:$0x1A000] =	vst v63  }
0xc2: {  	_ =	swait.ge @p0 [sflag:s7], $0x1900  }
0xc3: {  	s9 =	simm.s32 @p0 $0xC000;
	[sflag:s7] =	ssyncset.done @p0 $0x0  }
0xc4: {  	s8 =	simm.s32 @p0 $0x32;
	[sflag:s7] =	ssyncadd.s32 @p0 $0xFFFFE700;
	s7 =	simm.s32 @p0 $0xA  }
0xc5: {  	[tilespmem:s9], [sflag:$0x1] =	stream.indirect.gather @p0 [spmem:s1], $0x80, s6, s8, $0xb8;
	[tilespmem:$0x1A000] =	vst v63  }
0xc6: {  	_ =	swait.ge @p0 [sflag:s7], $0x1900  }
0xc7: {  	[sflag:s7] =	ssyncset.done @p0 $0x0  }
0xc8: {  	s9 =	sadd.s32 @p0 $0x80, s6;
	[sflag:s7] =	ssyncadd.s32 @p0 $0xFFFFE700;
	s7 =	simm.s32 @p0 $0xDC00  }
0xc9: {  	[tilespmem:s7], [sflag:$0x2] =	stream.indirect.gather @p0 [spmem:s1], $0x80, s9, s8, $0xb8;
	[tilespmem:$0x1A000] =	vst v63  }
0xca: {  	s7 =	simm.s32 @p0 $0xB  }
0xcb: {  	_ =	swait.ge @p0 [sflag:s7], $0x1900  }
0xcc: {  	[sflag:s7] =	ssyncset.done @p0 $0x0  }
0xcd: {  	s9 =	sadd.s32 @p0 $0x100, s6;
	[sflag:s7] =	ssyncadd.s32 @p0 $0xFFFFE700;
	s7 =	simm.s32 @p0 $0xF800  }
0xce: {  	[tilespmem:s7], [sflag:$0x3] =	stream.indirect.gather @p0 [spmem:s1], $0x80, s9, s8, $0xb8;
	[tilespmem:$0x1A000] =	vst v63  }
0xcf: {  	s7 =	simm.s32 @p0 $0xC  }
0xd0: {  	_ =	swait.ge @p0 [sflag:s7], $0x1900  }
0xd1: {  	[sflag:s7] =	ssyncset.done @p0 $0x0  }
0xd2: {  	s9 =	sadd.s32 @p0 $0x180, s6;
	[sflag:s7] =	ssyncadd.s32 @p0 $0xFFFFE700;
	s7 =	simm.s32 @p0 $0x11400  }
0xd3: {  	[tilespmem:s7], [sflag:$0x4] =	stream.indirect.gather @p0 [spmem:s1], $0x80, s9, s8, $0xb8;
	[tilespmem:$0x1A000] =	vst v63  }
0xd4: {  	s7 =	simm.s32 @p0 $0xD  }
0xd5: {  	_ =	swait.ge @p0 [sflag:s7], $0x1900  }
0xd6: {  	[sflag:s7] =	ssyncset.done @p0 $0x0  }
0xd7: {  	s9 =	sadd.s32 @p0 $0x200, s6;
	[sflag:s7] =	ssyncadd.s32 @p0 $0xFFFFE700;
	s7 =	simm.s32 @p0 $0x13000  }
0xd8: {  	[tilespmem:s7], [sflag:$0x5] =	stream.indirect.gather @p0 [spmem:s1], $0x80, s9, s8, $0xb8;
	[tilespmem:$0x1A000] =	vst v63  }
0xd9: {  	s7 =	simm.s32 @p0 $0xE  }
0xda: {  	_ =	swait.ge @p0 [sflag:s7], $0x1900  }
0xdb: {  	[sflag:s7] =	ssyncset.done @p0 $0x0  }
0xdc: {  	s9 =	sadd.s32 @p0 $0x280, s6;
	[sflag:s7] =	ssyncadd.s32 @p0 $0xFFFFE700;
	s7 =	simm.s32 @p0 $0x14C00  }
0xdd: {  	[tilespmem:s7], [sflag:$0x6] =	stream.indirect.gather @p0 [spmem:s1], $0x80, s9, s8, $0xb8;
	[tilespmem:$0x1A000] =	vst v63  }
0xde: {  	s7 =	simm.s32 @p0 $0xF  }
0xdf: {  	_ =	swait.ge @p0 [sflag:s7], $0x1900  }
0xe0: {  	[sflag:s7] =	ssyncset.done @p0 $0x0  }
0xe1: {  	s6 =	sadd.s32 @p0 $0x300, s6;
	[sflag:s7] =	ssyncadd.s32 @p0 $0xFFFFE700;
	s7 =	simm.s32 @p0 $0x16800  }
0xe2: {  	[tilespmem:s7], [sflag:$0x7] =	stream.indirect.gather @p0 [spmem:s1], $0x80, s6, s8, $0xb8;
	[tilespmem:$0x1A000] =	vst v63  }
0xe3: {  	s6 =	simm.s32 @p0 $0x10  }
0xe4: {  	_ =	swait.ge @p0 [sflag:s6], $0x1900  }
0xe5: {  	s7 =	simm.s32 @!p0 $0x32;
	[sflag:s6] =	ssyncset.done @p0 $0x0  }
0xe6: {  	s8 =	simm.s32 @!p0 $0x0;
	[sflag:s6] =	ssyncadd.s32 @p0 $0xFFFFE700;
	s6 =	simm.s32 @!p0 $0xC000  }
0xe7: {  	[tilespmem:s6], [sflag:$0x1] =	stream.indirect.gather @!p0 [spmem:s1], $0x80, s8, s7, $0xb8;
	[tilespmem:$0x1A000] =	vst v63  }
0xe8: {  	s6 =	simm.s32 @!p0 $0x80;
	s8 =	simm.s32 @!p0 $0xDC00  }
0xe9: {  	[tilespmem:s8], [sflag:$0x2] =	stream.indirect.gather @!p0 [spmem:s1], $0x80, s6, s7, $0xb8;
	[tilespmem:$0x1A000] =	vst v63  }
0xea: {  	s6 =	simm.s32 @!p0 $0x100;
	s8 =	simm.s32 @!p0 $0xF800  }
0xeb: {  	[tilespmem:s8], [sflag:$0x3] =	stream.indirect.gather @!p0 [spmem:s1], $0x80, s6, s7, $0xb8;
	[tilespmem:$0x1A000] =	vst v63  }
0xec: {  	s6 =	simm.s32 @!p0 $0x180;
	s8 =	simm.s32 @!p0 $0x11400  }
0xed: {  	[tilespmem:s8], [sflag:$0x4] =	stream.indirect.gather @!p0 [spmem:s1], $0x80, s6, s7, $0xb8;
	[tilespmem:$0x1A000] =	vst v63  }
0xee: {  	s6 =	simm.s32 @!p0 $0x200;
	s8 =	simm.s32 @!p0 $0x13000  }
0xef: {  	[tilespmem:s8], [sflag:$0x5] =	stream.indirect.gather @!p0 [spmem:s1], $0x80, s6, s7, $0xb8;
	[tilespmem:$0x1A000] =	vst v63  }
0xf0: {  	s6 =	simm.s32 @!p0 $0x280;
	s8 =	simm.s32 @!p0 $0x14C00  }
0xf1: {  	[tilespmem:s8], [sflag:$0x6] =	stream.indirect.gather @!p0 [spmem:s1], $0x80, s6, s7, $0xb8;
	[tilespmem:$0x1A000] =	vst v63  }
0xf2: {  	s6 =	simm.s32 @!p0 $0x300;
	s8 =	simm.s32 @!p0 $0x16800  }
0xf3: {  	[tilespmem:s8], [sflag:$0x7] =	stream.indirect.gather @!p0 [spmem:s1], $0x80, s6, s7, $0xb8;
	[tilespmem:$0x1A000] =	vst v63  }
0xf4: {  	s6 =	smov.u32 s0  }
0xf5: {  	s6 =	simm.s32 @!p0 $0x7  }
0xf6: {  	s23 =	sshll.u32 s6, $0x7  }
0xf7: {  	s22 =	rddreg [dreg:$0x4];
	s8 =	sand.u32 $0x3FFFFF80, s23  }
0xf8: {  	[tilespmem:s13], [sflag:$0x8] =	stream.indirect.gather [spmem:s1], $0x80, s8, s22, $0xb8;
	[tilespmem:$0x1A000] =	vst v63  }
0xf9: {  	_ =	swait.ge [sflag:s14], $0x1900  }
0xfa: {  	[sflag:s14] =	ssyncset.done $0x0  }
0xfb: {  	s24 =	rddreg [dreg:$0x5];
	[sflag:s14] =	ssyncadd.s32 $0xFFFFE700  }
0xfc: {  	[hbm4b:s2+s3] =	stream.linear.scatter [tilespmem:s24], [sflag:$0x9], $0x1900, $0x38;
	[tilespmem:$0x1A000] =	vst v63  }
0xfd: {  	s2 =	sadd.s32 @p0 $0xFFFFFFFA, s0  }
0xfe: {  	s2 =	simm.s32 @!p0 $0x1  }
0xff: {  	s2 =	sadd.s32 s5, s2  }
0x100: {  	_ =	swait.ge [sflag:s15], $0x1900;
	s2 =	smul.u32 $0x380, s2  }
0x101: {  	[sflag:s15] =	ssyncset.done $0x0  }
0x102: {  	s25 =	rddreg [dreg:$0x6];
	[sflag:s15] =	ssyncadd.s32 $0xFFFFE700;
	s2 =	sadd.s32 s4, s2  }
0x103: {  	[hbm4b:s2+s3] =	stream.linear.scatter [tilespmem:s25], [sflag:$0xA], $0x1900, $0x38;
	[tilespmem:$0x1A000] =	vst v63  }
0x104: {  	s2 =	sadd.s32 @p0 $0xFFFFFFFB, s0  }
0x105: {  	s2 =	simm.s32 @!p0 $0x2  }
0x106: {  	s2 =	sadd.s32 s5, s2  }
0x107: {  	_ =	swait.ge [sflag:s16], $0x1900;
	s2 =	smul.u32 $0x380, s2  }
0x108: {  	[sflag:s16] =	ssyncset.done $0x0  }
0x109: {  	s26 =	rddreg [dreg:$0x7];
	[sflag:s16] =	ssyncadd.s32 $0xFFFFE700;
	s2 =	sadd.s32 s4, s2  }
0x10a: {  	[hbm4b:s2+s3] =	stream.linear.scatter [tilespmem:s26], [sflag:$0xB], $0x1900, $0x38;
	[tilespmem:$0x1A000] =	vst v63  }
0x10b: {  	s2 =	sadd.s32 @p0 $0xFFFFFFFC, s0  }
0x10c: {  	s2 =	simm.s32 @!p0 $0x3  }
0x10d: {  	s2 =	sadd.s32 s5, s2  }
0x10e: {  	_ =	swait.ge [sflag:s17], $0x1900;
	s2 =	smul.u32 $0x380, s2  }
0x10f: {  	[sflag:s17] =	ssyncset.done $0x0  }
0x110: {  	s28 =	rddreg [dreg:$0x8];
	[sflag:s17] =	ssyncadd.s32 $0xFFFFE700;
	s2 =	sadd.s32 s4, s2  }
0x111: {  	[hbm4b:s2+s3] =	stream.linear.scatter [tilespmem:s28], [sflag:$0xC], $0x1900, $0x38;
	[tilespmem:$0x1A000] =	vst v63  }
0x112: {  	s2 =	sadd.s32 @p0 $0xFFFFFFFD, s0  }
0x113: {  	s2 =	simm.s32 @!p0 $0x4  }
0x114: {  	s2 =	sadd.s32 s5, s2  }
0x115: {  	_ =	swait.ge [sflag:s18], $0x1900;
	s2 =	smul.u32 $0x380, s2  }
0x116: {  	[sflag:s18] =	ssyncset.done $0x0  }
0x117: {  	s29 =	rddreg [dreg:$0x9];
	[sflag:s18] =	ssyncadd.s32 $0xFFFFE700;
	s2 =	sadd.s32 s4, s2  }
0x118: {  	[hbm4b:s2+s3] =	stream.linear.scatter [tilespmem:s29], [sflag:$0xD], $0x1900, $0x38;
	[tilespmem:$0x1A000] =	vst v63  }
0x119: {  	s2 =	sadd.s32 @p0 $0xFFFFFFFE, s0  }
0x11a: {  	s2 =	simm.s32 @!p0 $0x5  }
0x11b: {  	s2 =	sadd.s32 s5, s2  }
0x11c: {  	s0 =	sadd.s32 @p0 $0xFFFFFFFF, s0;
	_ =	swait.ge [sflag:s19], $0x1900;
	s2 =	smul.u32 $0x380, s2  }
0x11d: {  	s0 =	simm.s32 @!p0 $0x6;
	s30 =	rddreg [dreg:$0xa];
	[sflag:s19] =	ssyncset.done $0x0  }
0x11e: {  	s0 =	sadd.s32 s5, s0;
	[sflag:s19] =	ssyncadd.s32 $0xFFFFE700;
	s2 =	sadd.s32 s4, s2  }
0x11f: {  	[hbm4b:s2+s3] =	stream.linear.scatter [tilespmem:s30], [sflag:$0xE], $0x1900, $0x38;
	[tilespmem:$0x1A000] =	vst v63  }
0x120: {  	s0 =	smul.u32 $0x380, s0;
	_ =	swait.ge [sflag:s20], $0x1900  }
0x121: {  	s9 =	sadd.s32 s5, s6;
	[sflag:s20] =	ssyncset.done $0x0  }
0x122: {  	s0 =	sadd.s32 s4, s0;
	s8 =	rddreg [dreg:$0xb];
	[sflag:s20] =	ssyncadd.s32 $0xFFFFE700  }
0x123: {  	[hbm4b:s0+s3] =	stream.linear.scatter [tilespmem:s8], [sflag:$0xF], $0x1900, $0x38;
	[tilespmem:$0x1A000] =	vst v63  }
0x124: {  	s0 =	smul.u32 $0x380, s9;
	_ =	swait.ge [sflag:s21], $0x1900  }
0x125: {  	[sflag:s21] =	ssyncset.done $0x0  }
0x126: {  	s11 =	simm.s32 $0x9;
	s0 =	sadd.s32 s4, s0;
	[sflag:s21] =	ssyncadd.s32 $0xFFFFE700  }
0x127: {  	[hbm4b:s0+s3] =	stream.linear.scatter [tilespmem:s13], [sflag:$0x10], $0x1900, $0x38;
	[tilespmem:$0x1A000] =	vst v63  }
0x128: {  	_ =	swait.ge [sflag:s11], $0x1900  }
0x129: {  	[sflag:s11] =	ssyncset.done $0x0  }
0x12a: {  	s22 =	simm.s32 $0xA;
	[sflag:s11] =	ssyncadd.s32 $0xFFFFE700  }
0x12b: {  	_ =	swait.ge [sflag:s22], $0x1900  }
0x12c: {  	[sflag:s22] =	ssyncset.done $0x0  }
0x12d: {  	s23 =	simm.s32 $0xB;
	[sflag:s22] =	ssyncadd.s32 $0xFFFFE700  }
0x12e: {  	_ =	swait.ge [sflag:s23], $0x1900  }
0x12f: {  	[sflag:s23] =	ssyncset.done $0x0  }
0x130: {  	s24 =	simm.s32 $0xC;
	[sflag:s23] =	ssyncadd.s32 $0xFFFFE700  }
0x131: {  	_ =	swait.ge [sflag:s24], $0x1900  }
0x132: {  	[sflag:s24] =	ssyncset.done $0x0  }
0x133: {  	s25 =	simm.s32 $0xD;
	[sflag:s24] =	ssyncadd.s32 $0xFFFFE700  }
0x134: {  	_ =	swait.ge [sflag:s25], $0x1900  }
0x135: {  	[sflag:s25] =	ssyncset.done $0x0  }
0x136: {  	s26 =	simm.s32 $0xE;
	[sflag:s25] =	ssyncadd.s32 $0xFFFFE700  }
0x137: {  	_ =	swait.ge [sflag:s26], $0x1900  }
0x138: {  	[sflag:s26] =	ssyncset.done $0x0  }
0x139: {  	s28 =	simm.s32 $0xF;
	[sflag:s26] =	ssyncadd.s32 $0xFFFFE700  }
0x13a: {  	_ =	swait.ge [sflag:s28], $0x1900  }
0x13b: {  	[sflag:s28] =	ssyncset.done $0x0  }
0x13c: {  	s29 =	simm.s32 $0x10;
	[sflag:s28] =	ssyncadd.s32 $0xFFFFE700  }
0x13d: {  	_ =	swait.ge [sflag:s29], $0x1900  }
0x13e: {  	s31 =	sadd.s32 $0x1, s31;
	s30 =	rddreg [dreg:$0xf]  }
0x13f: {  	p0 =	sne.s32 s31, s30  }
.Ltmp1:
0x140: {  	_ = 	snop;
	(pc) =	sbr.rel @p0 .LBB2_1-.Ltmp1, $3  }
0x141: {  	_ =	sdelay $0x1  }
0x142: {  	[sflag:s29] =	ssyncset.done $0x0  }
0x143: {  	[sflag:s29] =	ssyncadd.s32 $0xFFFFE700  }
0x144: {  	_ =	sfence.sel $0x180000  }
0x145: {  	[bflag:$0x0] =	sbarrier.arrive $0xFFFF  }
0x146: {  	_ =	strace $0x90000047  }
0x147: {  	s0 =	stileid.u32;
	[bflag:$0x2] =	sbarrier.arrive $0xFFFF  }
0x148: {  	p0 =	sne.s32 s0, $0x0;
	s0 =	rddreg [dreg:$0x3]  }
0x149: {  	s0 =	sadd.s32 @!p0 $0x100000, s0  }
0x14a: {  	[sflag:s0] =	ssyncadd.tile.s32 @!p0 $0x1;
	_ =	shalt  }
.Lfunc_end2:
_tile_overlayer_lowered:
.L_overlay_start_2:
0x14b: {  	(tag) =	ssettag $0x2  }
0x14c: {  	s0 =	rddreg [dreg:$0x0];
	s2 =	stileid.u32  }
0x14d: {  	s1 =	rddreg [dreg:$0x1];
	p0 =	sne.s32 s2, $0x0  }
0x14e: {  	s3 =	rddreg [dreg:$0x2];
	[bflag:$0x3] =	sbarrier.arrive $0xFFFF;
	s2 =	simm.s32 @!p0 $0x1C11  }
0x14f: {  	[timem:s3], [sflag:s2] =	dma.local @!p0 [hbm:s0], s1  }
0x150: {  	s0 =	simm.s32 @!p0 $0x11  }
0x151: {  	_ =	swait.ge @!p0 [sflag:s0], s1  }
0x152: {  	s1 =	ssub.s32 @!p0 $0x0, s1;
	[sflag:s0] =	ssyncset.done @!p0 $0x0  }
0x153: {  	[sflag:s0] =	ssyncadd.s32 @!p0 s1  }
0x154: {  	[bflag:$0x3] =	sbarrier.arrive $0xFFFF  }
0x155: {  	_ =	shalt  }

</sc_bundles>
